<compile_context>
chip_gen: v7x
topology: tpu7x:2x2x1
jax: 0.10.2.dev20260603
libtpu: 0.0.44.dev20260713+nightly
codegen_flags: <defaults>
</compile_context>

<pallas_src>
import functools

import jax
import jax.numpy as jnp
from jax import lax
from jax.experimental import pallas as pl
from jax.experimental.pallas import tpu as pltpu
from jax.experimental.pallas import tpu_sc as plsc

N_NODES = 100_000
N_EDGES = 6_400_000
N_PAD = 100_352
TRASH = N_NODES
NW = 32
BLK = 6_400
NBLK = N_EDGES // BLK
VPB = BLK // 16
INIT = N_PAD // 16

_mesh = plsc.VectorSubcoreMesh(core_axis_name="c", subcore_axis_name="s")


@functools.partial(
    pl.kernel,
    out_type=jax.ShapeDtypeStruct((2 * N_PAD,), jnp.float32),
    mesh=_mesh,
    compiler_params=pltpu.CompilerParams(needs_layout_passes=False),
    scratch_types=[
        pltpu.VMEM((BLK,), jnp.int32),
        pltpu.VMEM((BLK,), jnp.int32),
        pltpu.VMEM((BLK,), jnp.int32),
        pltpu.VMEM((INIT,), jnp.float32),
        pltpu.VMEM((16,), jnp.float32),
        pltpu.VMEM((16,), jnp.int32),
        pltpu.SemaphoreType.DMA,
        pltpu.SemaphoreType.DMA,
        pltpu.SemaphoreType.DMA,
    ],
)
def _sc_scan(edge_hbm, vtx_hbm, out_hbm, cola_v, colb_v, row_v, fill_v,
             zero_v, vtx_v, sema, semb, semr):
    c = lax.axis_index("c")
    s = lax.axis_index("s")
    wid = s * 2 + c

    pltpu.sync_copy(vtx_hbm, vtx_v)
    vv = vtx_v[...]

    zero_v[...] = jnp.zeros((16,), jnp.float32)
    minf = jnp.full((16,), -jnp.inf, jnp.float32)

    @plsc.parallel_loop(0, INIT // 16, unroll=4)
    def _(i):
        fill_v[pl.ds(i * 16, 16)] = minf

    pltpu.sync_copy(fill_v, out_hbm.at[pl.ds(c * N_PAD + s * INIT, INIT)])
    plsc.subcore_barrier()

    half = c * N_PAD
    ones16 = jnp.full((16,), 0x7FFFFFFF, jnp.int32)

    def start_fetch(g, buf, sem):
        return pltpu.async_copy(edge_hbm.at[1, pl.ds(g * BLK, BLK)], buf, sem)

    def sany(m):
        pc = plsc.all_reduce_population_count(m == 0)
        return pc[0] > 0

    def scan_block(buf):
        @plsc.parallel_loop(0, VPB, step=8, unroll=4,
                            carry=(ones16,) * 8)
        def accs(i, acc):
            base = i * 16
            return tuple(
                jnp.minimum(acc[k], buf[pl.ds(base + 16 * k, 16)] ^ vv)
                for k in range(8)
            )

        m01 = jnp.minimum(accs[0], accs[1])
        m23 = jnp.minimum(accs[2], accs[3])
        m45 = jnp.minimum(accs[4], accs[5])
        m67 = jnp.minimum(accs[6], accs[7])
        return sany(jnp.minimum(jnp.minimum(m01, m23),
                                jnp.minimum(m45, m67)))

    lane = lax.iota(jnp.int32, 16)
    bigv = jnp.full((16,), 0x3FFFFFFF, jnp.int32)

    def first_match_scan(buf, prev):

        @plsc.parallel_loop(0, VPB, step=4, unroll=2, carry=(bigv,) * 4)
        def accs(i, acc):
            out = []
            for k in range(4):
                cv = buf[pl.ds((i + k) * 16, 16)]
                iv = jnp.full((16,), i + k, jnp.int32)
                cand = jnp.where((cv == vv) & (iv > prev), iv, bigv)
                out.append(jnp.minimum(acc[k], cand))
            return tuple(out)

        return jnp.minimum(jnp.minimum(accs[0], accs[1]),
                           jnp.minimum(accs[2], accs[3]))

    def handle_block(g, buf):

        @pl.when(scan_block(buf))
        def _():
            pltpu.sync_copy(edge_hbm.at[0, pl.ds(g * BLK, BLK)], row_v)

            def cond(miv):
                pc = plsc.all_reduce_population_count(miv != bigv)
                return pc[0] > 0

            def body(miv):
                mask = miv != bigv
                flat = jnp.where(mask, miv, 0) * 16 + lane
                rv = plsc.load_gather(row_v, [flat])
                hit = mask & (rv != vv)
                idx = jnp.where(hit, rv + half, half + TRASH + lane)
                pltpu.async_copy(zero_v, out_hbm.at[idx], semr).wait()
                return first_match_scan(buf, miv)

            miv0 = first_match_scan(buf, jnp.full((16,), -1, jnp.int32))
            lax.while_loop(cond, body, miv0)

    start_fetch(wid, cola_v, sema)

    def blk_body(j2, carry):
        ja = 2 * j2
        ga = ja * NW + wid
        gb = ga + NW
        gc = gb + NW

        @pl.when(gb < NBLK)
        def _():
            start_fetch(gb, colb_v, semb)

        pltpu.make_async_copy(edge_hbm.at[1, pl.ds(ga * BLK, BLK)],
                              cola_v, sema).wait()
        handle_block(ga, cola_v)

        @pl.when(gc < NBLK)
        def _():
            start_fetch(gc, cola_v, sema)

        @pl.when(gb < NBLK)
        def _():
            pltpu.make_async_copy(edge_hbm.at[1, pl.ds(gb * BLK, BLK)],
                                  colb_v, semb).wait()
            handle_block(gb, colb_v)

        return carry

    lax.fori_loop(0, NBLK // (2 * NW) + 1, blk_body, 0)


def _merge_body(vtx_ref, x_ref, o_ref):
    m = jnp.maximum(x_ref[0], x_ref[1])
    o_ref[...] = jnp.where(vtx_ref[0] == -1, jnp.float32(0.0), m)


_merge = pl.pallas_call(
    _merge_body,
    out_shape=jax.ShapeDtypeStruct((N_PAD // 128, 128), jnp.float32),
    in_specs=[
        pl.BlockSpec(memory_space=pltpu.SMEM),
        pl.BlockSpec(memory_space=pltpu.VMEM),
    ],
    out_specs=pl.BlockSpec(memory_space=pltpu.VMEM),
)


def kernel(logits, edge_index, vertex):
    del logits
    v = jnp.asarray(vertex, jnp.int32)
    vvec = jnp.full((16,), v, jnp.int32)
    halves = _sc_scan(edge_index, vvec)
    merged = _merge(v.reshape(1), halves.reshape(2, N_PAD // 128, 128))
    return merged.reshape(N_PAD)[:N_NODES].reshape(N_NODES, 1)

# --- scband reference (transcript-rebuilt; emitter-appended) ---
"""Pipeline reference for scband-mask-58222576664661 (READ-ONLY COPY).

The authoritative reference and input builder live on the scoring server;
editing this copy changes nothing except your own understanding.
"""

import jax, jax.numpy as jnp
import numpy as np

N_NODES = 100000
N_EDGES = 6400000
VERTEX = 12345


def setup_inputs(seed: int = 0) -> dict:
    key = jax.random.key(seed)
    k1, k2 = jax.random.split(key)
    logits = jax.random.normal(k1, (N_NODES,), dtype=jnp.float32)
    edge_index = jax.random.randint(k2, (2, N_EDGES), 0, N_NODES, dtype=jnp.int32)
    return {"logits": logits, "edge_index": edge_index, "vertex": VERTEX}


def reference(logits, edge_index, vertex):
    # Faithful translation of Mask.forward with torch_geometric.k_hop_subgraph(vertex, 1, edge_index)
    # flow='source_to_target': subset = {vertex} U {row[e] : col[e] == vertex}
    row = edge_index[0]
    col = edge_index[1]
    n = logits.shape[0]
    incl = jnp.zeros((n,), dtype=bool).at[vertex].set(True)
    # for edges whose target is `vertex`, include the source node; others map to `vertex` (already True)
    src = jnp.where(col == vertex, row, vertex)
    incl = incl.at[src].set(True)
    # mask = ones(N) * -inf, scatter 0 at included indices (equivalent to where)
    mask = jnp.where(incl, jnp.float32(0.0), jnp.float32(-jnp.inf))
    mask = mask.at[vertex].set(-jnp.inf)
    result = mask.reshape(-1, 1)
    zero_branch = jnp.zeros_like(logits).reshape(-1, 1)
    return jnp.where(vertex == -1, zero_branch, result)

if __name__ == "__main__":
    import jax
    _d = setup_inputs()
    print(jax.jit(kernel)(*tuple(_d.values())))

</pallas_src>

<mosaic_0001>
#map = affine_map<(d0, d1) -> (0, 0)>
#map1 = affine_map<(d0, d1) -> (0)>
module attributes {stable_mosaic.version = 14 : i64} {
  func.func @_sc_scan(%arg0: i32, %arg1: i32, %arg2: memref<2x6400000xi32, #tpu.memory_space<hbm>>, %arg3: memref<16xi32, #tpu.memory_space<hbm>>, %arg4: memref<200704xf32, #tpu.memory_space<hbm>>, %arg5: memref<6400xi32, #tpu.memory_space<vmem>>, %arg6: memref<6400xi32, #tpu.memory_space<vmem>>, %arg7: memref<6400xi32, #tpu.memory_space<vmem>>, %arg8: memref<6272xf32, #tpu.memory_space<vmem>>, %arg9: memref<16xf32, #tpu.memory_space<vmem>>, %arg10: memref<16xi32, #tpu.memory_space<vmem>>, %arg11: memref<!tpu.dma_semaphore, #tpu.memory_space<semaphore_mem>>, %arg12: memref<!tpu.dma_semaphore, #tpu.memory_space<semaphore_mem>>, %arg13: memref<!tpu.dma_semaphore, #tpu.memory_space<semaphore_mem>>) attributes {dimension_semantics = [#tpu.dimension_semantics<core_parallel>, #tpu.dimension_semantics<subcore_parallel>], iteration_bounds = array<i64: 2, 16>, scalar_prefetch = 0 : i64, scratch_operands = 9 : i64, tpu.core_type = #tpu.core_type<sc_vector_subcore>, window_params = [{transform_indices = #map}, {transform_indices = #map1}, {transform_indices = #map1}]} {
    %mul3A = arith.constant 2 : i32
    %mul3A_0 = arith.muli %arg1, %mul3A : i32
    %add3A = arith.addi %mul3A_0, %arg0 : i32
    "tpu.region"() ({
      %run_scoped3A = tpu.sem_alloc : memref<!tpu.dma_semaphore, #tpu.memory_space<semaphore_mem>>
      tpu.enqueue_dma source(%arg3 : memref<16xi32, #tpu.memory_space<hbm>>) target(%arg10 : memref<16xi32, #tpu.memory_space<vmem>>) target_semaphore(%run_scoped3A : memref<!tpu.dma_semaphore, #tpu.memory_space<semaphore_mem>>)
      tpu.wait_dma2 semaphore(%run_scoped3A : memref<!tpu.dma_semaphore, #tpu.memory_space<semaphore_mem>>) src(%arg3 : memref<16xi32, #tpu.memory_space<hbm>>) dst(%arg10 : memref<16xi32, #tpu.memory_space<vmem>>)
      tpu.yield
    }) : () -> ()
    %get3A = arith.constant 0 : index
    %get3A_1 = tpu.vector_load %arg10[%get3A] {strides = array<i32>} : memref<16xi32, #tpu.memory_space<vmem>>, vector<16xi32>,
    %broadcast_in_dim3A = arith.constant 0.000000e+00 : f32
    %broadcast_in_dim3A_2 = vector.broadcast %broadcast_in_dim3A : f32 to vector<16xf32>
    %swap3A = arith.constant 0 : index
    %swap3A_3 = tpu.vector_load %arg9[%swap3A] {strides = array<i32>} : memref<16xf32, #tpu.memory_space<vmem>>, vector<16xf32>,
    tpu.vector_store %arg9[%swap3A], %broadcast_in_dim3A_2 {strides = array<i32>} : memref<16xf32, #tpu.memory_space<vmem>>, vector<16xf32>,
    %broadcast_in_dim3A_4 = arith.constant 0xFF800000 : f32
    %broadcast_in_dim3A_5 = vector.broadcast %broadcast_in_dim3A_4 : f32 to vector<16xf32>
    %parallel_loop3A = arith.constant 0 : i32
    %parallel_loop3A_6 = arith.constant 392 : i32
    %parallel_loop3A_7 = arith.constant 1 : i32
    scf.for %parallel_loop3A_30 = %parallel_loop3A to %parallel_loop3A_6 step %parallel_loop3A_7  : i32 {
      %parallel_loop3A_31 = arith.constant 16 : i32
      %parallel_loop3A_32 = arith.muli %parallel_loop3A_30, %parallel_loop3A_31 : i32
      %parallel_loop3A_33 = arith.index_cast %parallel_loop3A_32 : i32 to index
      %parallel_loop3A_34 = tpu.vector_load %arg8[%parallel_loop3A_33] {strides = array<i32>} : memref<6272xf32, #tpu.memory_space<vmem>>, vector<16xf32>,
      tpu.vector_store %arg8[%parallel_loop3A_33], %broadcast_in_dim3A_5 {strides = array<i32>} : memref<6272xf32, #tpu.memory_space<vmem>>, vector<16xf32>,
    } {sc.loop_unroll_factor = 4 : i64, sc.parallel_access}
    %mul3A_8 = arith.constant 100352 : i32
    %mul3A_9 = arith.muli %arg0, %mul3A_8 : i32
    %mul3A_10 = arith.constant 6272 : i32
    %mul3A_11 = arith.muli %arg1, %mul3A_10 : i32
    %add3A_12 = arith.addi %mul3A_9, %mul3A_11 : i32
    "tpu.region"() ({
      %run_scoped3A = tpu.sem_alloc : memref<!tpu.dma_semaphore, #tpu.memory_space<semaphore_mem>>
      %dma_start3A_30 = tpu.memref_slice %arg4[%add3A_12] : memref<200704xf32, #tpu.memory_space<hbm>> -> memref<6272xf32, #tpu.memory_space<hbm>>
      %dma_start3A_31 = tpu.memref_slice %arg4[%add3A_12] : memref<200704xf32, #tpu.memory_space<hbm>> -> memref<6272xf32, #tpu.memory_space<hbm>>
      tpu.enqueue_dma source(%arg8 : memref<6272xf32, #tpu.memory_space<vmem>>) target(%dma_start3A_31 : memref<6272xf32, #tpu.memory_space<hbm>>) target_semaphore(%run_scoped3A : memref<!tpu.dma_semaphore, #tpu.memory_space<semaphore_mem>>)
      %dma_wait3A = tpu.memref_slice %arg4[%add3A_12] : memref<200704xf32, #tpu.memory_space<hbm>> -> memref<6272xf32, #tpu.memory_space<hbm>>
      %dma_wait3A_32 = tpu.memref_slice %arg4[%add3A_12] : memref<200704xf32, #tpu.memory_space<hbm>> -> memref<6272xf32, #tpu.memory_space<hbm>>
      tpu.wait_dma2 semaphore(%run_scoped3A : memref<!tpu.dma_semaphore, #tpu.memory_space<semaphore_mem>>) src(%arg8 : memref<6272xf32, #tpu.memory_space<vmem>>) dst(%dma_wait3A_32 : memref<6272xf32, #tpu.memory_space<hbm>>)
      tpu.yield
    }) : () -> ()
    %barrier3A = arith.constant 0 : index
    tpu.barrier barrier_id(%barrier3A)
    %mul3A_13 = arith.constant 100352 : i32
    %mul3A_14 = arith.muli %arg0, %mul3A_13 : i32
    %broadcast_in_dim3A_15 = arith.constant 2147483647 : i32
    %broadcast_in_dim3A_16 = vector.broadcast %broadcast_in_dim3A_15 : i32 to vector<16xi32>
    %iota3A = tpu.iota {dimensions = array<i32: 0>} : vector<16xi32>
    %broadcast_in_dim3A_17 = arith.constant 1073741823 : i32
    %broadcast_in_dim3A_18 = vector.broadcast %broadcast_in_dim3A_17 : i32 to vector<16xi32>
    %mul3A_19 = arith.constant 6400 : i32
    %mul3A_20 = arith.muli %add3A, %mul3A_19 : i32
    %dma_start3A = arith.constant 1 : i32
    %dma_start3A_21 = tpu.memref_slice %arg2[%dma_start3A, %mul3A_20] : memref<2x6400000xi32, #tpu.memory_space<hbm>> -> memref<1x6400xi32, #tpu.memory_space<hbm>>
    %dma_start3A_22 = tpu.memref_squeeze %dma_start3A_21 : memref<1x6400xi32, #tpu.memory_space<hbm>> -> memref<6400xi32, #tpu.memory_space<hbm>>
    %dma_start3A_23 = tpu.memref_slice %arg2[%dma_start3A, %mul3A_20] : memref<2x6400000xi32, #tpu.memory_space<hbm>> -> memref<1x6400xi32, #tpu.memory_space<hbm>>
    %dma_start3A_24 = tpu.memref_squeeze %dma_start3A_23 : memref<1x6400xi32, #tpu.memory_space<hbm>> -> memref<6400xi32, #tpu.memory_space<hbm>>
    tpu.enqueue_dma source(%dma_start3A_24 : memref<6400xi32, #tpu.memory_space<hbm>>) target(%arg5 : memref<6400xi32, #tpu.memory_space<vmem>>) target_semaphore(%arg11 : memref<!tpu.dma_semaphore, #tpu.memory_space<semaphore_mem>>)
    %scan3A = arith.constant 0 : i32
    %scan3A_25 = arith.constant 0 : i32
    %scan3A_26 = arith.constant 16 : i32
    %scan3A_27 = arith.addi %scan3A_25, %scan3A_26 : i32
    %scan3A_28 = arith.constant 1 : i32
    scf.for %scan3A_30 = %scan3A_25 to %scan3A_27 step %scan3A_28  : i32 {
      %mul3A_31 = arith.constant 2 : i32
      %mul3A_32 = arith.muli %mul3A_31, %scan3A_30 : i32
      %mul3A_33 = arith.constant 32 : i32
      %mul3A_34 = arith.muli %mul3A_32, %mul3A_33 : i32
      %add3A_35 = arith.addi %mul3A_34, %add3A : i32
      %add3A_36 = arith.constant 32 : i32
      %add3A_37 = arith.addi %add3A_35, %add3A_36 : i32
      %add3A_38 = arith.constant 32 : i32
      %add3A_39 = arith.addi %add3A_37, %add3A_38 : i32
      %lt3A = arith.constant 1000 : i32
      %lt3A_40 = arith.cmpi slt, %add3A_37, %lt3A : i32
      %convert_element_type3A = arith.extui %lt3A_40 : i1 to i32
      %cond3A = arith.constant 0 : i32
      %cond3A_41 = arith.cmpi ne, %convert_element_type3A, %cond3A : i32
      scf.if %cond3A_41 {
        %mul3A_74 = arith.constant 6400 : i32
        %mul3A_75 = arith.muli %add3A_37, %mul3A_74 : i32
        %dma_start3A_76 = arith.constant 1 : i32
        %dma_start3A_77 = tpu.memref_slice %arg2[%dma_start3A_76, %mul3A_75] : memref<2x6400000xi32, #tpu.memory_space<hbm>> -> memref<1x6400xi32, #tpu.memory_space<hbm>>
        %dma_start3A_78 = tpu.memref_squeeze %dma_start3A_77 : memref<1x6400xi32, #tpu.memory_space<hbm>> -> memref<6400xi32, #tpu.memory_space<hbm>>
        %dma_start3A_79 = tpu.memref_slice %arg2[%dma_start3A_76, %mul3A_75] : memref<2x6400000xi32, #tpu.memory_space<hbm>> -> memref<1x6400xi32, #tpu.memory_space<hbm>>
        %dma_start3A_80 = tpu.memref_squeeze %dma_start3A_79 : memref<1x6400xi32, #tpu.memory_space<hbm>> -> memref<6400xi32, #tpu.memory_space<hbm>>
        tpu.enqueue_dma source(%dma_start3A_80 : memref<6400xi32, #tpu.memory_space<hbm>>) target(%arg6 : memref<6400xi32, #tpu.memory_space<vmem>>) target_semaphore(%arg12 : memref<!tpu.dma_semaphore, #tpu.memory_space<semaphore_mem>>)
      } else {
      }
      %mul3A_42 = arith.constant 6400 : i32
      %mul3A_43 = arith.muli %add3A_35, %mul3A_42 : i32
      %dma_wait3A = arith.constant 1 : i32
      %dma_wait3A_44 = tpu.memref_slice %arg2[%dma_wait3A, %mul3A_43] : memref<2x6400000xi32, #tpu.memory_space<hbm>> -> memref<1x6400xi32, #tpu.memory_space<hbm>>
      %dma_wait3A_45 = tpu.memref_squeeze %dma_wait3A_44 : memref<1x6400xi32, #tpu.memory_space<hbm>> -> memref<6400xi32, #tpu.memory_space<hbm>>
      %dma_wait3A_46 = tpu.memref_slice %arg2[%dma_wait3A, %mul3A_43] : memref<2x6400000xi32, #tpu.memory_space<hbm>> -> memref<1x6400xi32, #tpu.memory_space<hbm>>
      %dma_wait3A_47 = tpu.memref_squeeze %dma_wait3A_46 : memref<1x6400xi32, #tpu.memory_space<hbm>> -> memref<6400xi32, #tpu.memory_space<hbm>>
      tpu.wait_dma2 semaphore(%arg11 : memref<!tpu.dma_semaphore, #tpu.memory_space<semaphore_mem>>) src(%dma_wait3A_47 : memref<6400xi32, #tpu.memory_space<hbm>>) dst(%arg5 : memref<6400xi32, #tpu.memory_space<vmem>>)
      %parallel_loop3A_48 = arith.constant 0 : i32
      %parallel_loop3A_49 = arith.constant 400 : i32
      %parallel_loop3A_50 = arith.constant 8 : i32
      %parallel_loop3A_51:8 = scf.for %parallel_loop3A_74 = %parallel_loop3A_48 to %parallel_loop3A_49 step %parallel_loop3A_50 iter_args(%parallel_loop3A_75 = %broadcast_in_dim3A_16, %parallel_loop3A_76 = %broadcast_in_dim3A_16, %parallel_loop3A_77 = %broadcast_in_dim3A_16, %parallel_loop3A_78 = %broadcast_in_dim3A_16, %parallel_loop3A_79 = %broadcast_in_dim3A_16, %parallel_loop3A_80 = %broadcast_in_dim3A_16, %parallel_loop3A_81 = %broadcast_in_dim3A_16, %parallel_loop3A_82 = %broadcast_in_dim3A_16) -> (vector<16xi32>, vector<16xi32>, vector<16xi32>, vector<16xi32>, vector<16xi32>, vector<16xi32>, vector<16xi32>, vector<16xi32>)  : i32 {
        %parallel_loop3A_83 = arith.constant 16 : i32
        %parallel_loop3A_84 = arith.muli %parallel_loop3A_74, %parallel_loop3A_83 : i32
        %parallel_loop3A_85 = arith.constant 0 : i32
        %parallel_loop3A_86 = arith.addi %parallel_loop3A_84, %parallel_loop3A_85 : i32
        %parallel_loop3A_87 = arith.index_cast %parallel_loop3A_86 : i32 to index
        %parallel_loop3A_88 = tpu.vector_load %arg5[%parallel_loop3A_87] {strides = array<i32>} : memref<6400xi32, #tpu.memory_space<vmem>>, vector<16xi32>,
        %parallel_loop3A_89 = arith.xori %parallel_loop3A_88, %get3A_1 : vector<16xi32>
        %parallel_loop3A_90 = arith.minsi %parallel_loop3A_75, %parallel_loop3A_89 : vector<16xi32>
        %parallel_loop3A_91 = arith.constant 16 : i32
        %parallel_loop3A_92 = arith.addi %parallel_loop3A_84, %parallel_loop3A_91 : i32
        %parallel_loop3A_93 = arith.index_cast %parallel_loop3A_92 : i32 to index
        %parallel_loop3A_94 = tpu.vector_load %arg5[%parallel_loop3A_93] {strides = array<i32>} : memref<6400xi32, #tpu.memory_space<vmem>>, vector<16xi32>,
        %parallel_loop3A_95 = arith.xori %parallel_loop3A_94, %get3A_1 : vector<16xi32>
        %parallel_loop3A_96 = arith.minsi %parallel_loop3A_76, %parallel_loop3A_95 : vector<16xi32>
        %parallel_loop3A_97 = arith.constant 32 : i32
        %parallel_loop3A_98 = arith.addi %parallel_loop3A_84, %parallel_loop3A_97 : i32
        %parallel_loop3A_99 = arith.index_cast %parallel_loop3A_98 : i32 to index
        %parallel_loop3A_100 = tpu.vector_load %arg5[%parallel_loop3A_99] {strides = array<i32>} : memref<6400xi32, #tpu.memory_space<vmem>>, vector<16xi32>,
        %parallel_loop3A_101 = arith.xori %parallel_loop3A_100, %get3A_1 : vector<16xi32>
        %parallel_loop3A_102 = arith.minsi %parallel_loop3A_77, %parallel_loop3A_101 : vector<16xi32>
        %parallel_loop3A_103 = arith.constant 48 : i32
        %parallel_loop3A_104 = arith.addi %parallel_loop3A_84, %parallel_loop3A_103 : i32
        %parallel_loop3A_105 = arith.index_cast %parallel_loop3A_104 : i32 to index
        %parallel_loop3A_106 = tpu.vector_load %arg5[%parallel_loop3A_105] {strides = array<i32>} : memref<6400xi32, #tpu.memory_space<vmem>>, vector<16xi32>,
        %parallel_loop3A_107 = arith.xori %parallel_loop3A_106, %get3A_1 : vector<16xi32>
        %parallel_loop3A_108 = arith.minsi %parallel_loop3A_78, %parallel_loop3A_107 : vector<16xi32>
        %parallel_loop3A_109 = arith.constant 64 : i32
        %parallel_loop3A_110 = arith.addi %parallel_loop3A_84, %parallel_loop3A_109 : i32
        %parallel_loop3A_111 = arith.index_cast %parallel_loop3A_110 : i32 to index
        %parallel_loop3A_112 = tpu.vector_load %arg5[%parallel_loop3A_111] {strides = array<i32>} : memref<6400xi32, #tpu.memory_space<vmem>>, vector<16xi32>,
        %parallel_loop3A_113 = arith.xori %parallel_loop3A_112, %get3A_1 : vector<16xi32>
        %parallel_loop3A_114 = arith.minsi %parallel_loop3A_79, %parallel_loop3A_113 : vector<16xi32>
        %parallel_loop3A_115 = arith.constant 80 : i32
        %parallel_loop3A_116 = arith.addi %parallel_loop3A_84, %parallel_loop3A_115 : i32
        %parallel_loop3A_117 = arith.index_cast %parallel_loop3A_116 : i32 to index
        %parallel_loop3A_118 = tpu.vector_load %arg5[%parallel_loop3A_117] {strides = array<i32>} : memref<6400xi32, #tpu.memory_space<vmem>>, vector<16xi32>,
        %parallel_loop3A_119 = arith.xori %parallel_loop3A_118, %get3A_1 : vector<16xi32>
        %parallel_loop3A_120 = arith.minsi %parallel_loop3A_80, %parallel_loop3A_119 : vector<16xi32>
        %parallel_loop3A_121 = arith.constant 96 : i32
        %parallel_loop3A_122 = arith.addi %parallel_loop3A_84, %parallel_loop3A_121 : i32
        %parallel_loop3A_123 = arith.index_cast %parallel_loop3A_122 : i32 to index
        %parallel_loop3A_124 = tpu.vector_load %arg5[%parallel_loop3A_123] {strides = array<i32>} : memref<6400xi32, #tpu.memory_space<vmem>>, vector<16xi32>,
        %parallel_loop3A_125 = arith.xori %parallel_loop3A_124, %get3A_1 : vector<16xi32>
        %parallel_loop3A_126 = arith.minsi %parallel_loop3A_81, %parallel_loop3A_125 : vector<16xi32>
        %parallel_loop3A_127 = arith.constant 112 : i32
        %parallel_loop3A_128 = arith.addi %parallel_loop3A_84, %parallel_loop3A_127 : i32
        %parallel_loop3A_129 = arith.index_cast %parallel_loop3A_128 : i32 to index
        %parallel_loop3A_130 = tpu.vector_load %arg5[%parallel_loop3A_129] {strides = array<i32>} : memref<6400xi32, #tpu.memory_space<vmem>>, vector<16xi32>,
        %parallel_loop3A_131 = arith.xori %parallel_loop3A_130, %get3A_1 : vector<16xi32>
        %parallel_loop3A_132 = arith.minsi %parallel_loop3A_82, %parallel_loop3A_131 : vector<16xi32>
        scf.yield %parallel_loop3A_90, %parallel_loop3A_96, %parallel_loop3A_102, %parallel_loop3A_108, %parallel_loop3A_114, %parallel_loop3A_120, %parallel_loop3A_126, %parallel_loop3A_132 : vector<16xi32>, vector<16xi32>, vector<16xi32>, vector<16xi32>, vector<16xi32>, vector<16xi32>, vector<16xi32>, vector<16xi32>
      } {sc.loop_unroll_factor = 4 : i64, sc.parallel_access}
      %min3A = arith.minsi %parallel_loop3A_51#0, %parallel_loop3A_51#1 : vector<16xi32>
      %min3A_52 = arith.minsi %parallel_loop3A_51#2, %parallel_loop3A_51#3 : vector<16xi32>
      %min3A_53 = arith.minsi %parallel_loop3A_51#4, %parallel_loop3A_51#5 : vector<16xi32>
      %min3A_54 = arith.minsi %parallel_loop3A_51#6, %parallel_loop3A_51#7 : vector<16xi32>
      %min3A_55 = arith.minsi %min3A, %min3A_52 : vector<16xi32>
      %min3A_56 = arith.minsi %min3A_53, %min3A_54 : vector<16xi32>
      %min3A_57 = arith.minsi %min3A_55, %min3A_56 : vector<16xi32>
      %eq3A = arith.constant 0 : i32
      %eq3A_58 = vector.broadcast %eq3A : i32 to vector<16xi32>
      %eq3A_59 = arith.cmpi eq, %min3A_57, %eq3A_58 : vector<16xi32>
      %all_reduce_population_count3A = tpu.all_reduce %eq3A_59 {dim = 0 : i64, kind = #tpu.reduction_kind<sum>} : vector<16xi1> -> vector<16xi32>
      %slice3A = vector.extract_strided_slice %all_reduce_population_count3A {offsets = [0], sizes = [1], strides = [1]} : vector<16xi32> to vector<1xi32>
      %squeeze3A = vector.extract %slice3A[0] : i32 from vector<1xi32>
      %gt3A = arith.constant 0 : i32
      %gt3A_60 = arith.cmpi sgt, %squeeze3A, %gt3A : i32
      %convert_element_type3A_61 = arith.extui %gt3A_60 : i1 to i32
      %cond3A_62 = arith.constant 0 : i32
      %cond3A_63 = arith.cmpi ne, %convert_element_type3A_61, %cond3A_62 : i32
      scf.if %cond3A_63 {
        %mul3A_74 = arith.constant 6400 : i32
        %mul3A_75 = arith.muli %add3A_35, %mul3A_74 : i32
        %run_scoped3A = arith.constant 0 : i32
        "tpu.region"() ({
          %run_scoped3A_85 = tpu.sem_alloc : memref<!tpu.dma_semaphore, #tpu.memory_space<semaphore_mem>>
          %dma_start3A_86 = tpu.memref_slice %arg2[%run_scoped3A, %mul3A_75] : memref<2x6400000xi32, #tpu.memory_space<hbm>> -> memref<1x6400xi32, #tpu.memory_space<hbm>>
          %dma_start3A_87 = tpu.memref_squeeze %dma_start3A_86 : memref<1x6400xi32, #tpu.memory_space<hbm>> -> memref<6400xi32, #tpu.memory_space<hbm>>
          %dma_start3A_88 = tpu.memref_slice %arg2[%run_scoped3A, %mul3A_75] : memref<2x6400000xi32, #tpu.memory_space<hbm>> -> memref<1x6400xi32, #tpu.memory_space<hbm>>
          %dma_start3A_89 = tpu.memref_squeeze %dma_start3A_88 : memref<1x6400xi32, #tpu.memory_space<hbm>> -> memref<6400xi32, #tpu.memory_space<hbm>>
          tpu.enqueue_dma source(%dma_start3A_89 : memref<6400xi32, #tpu.memory_space<hbm>>) target(%arg7 : memref<6400xi32, #tpu.memory_space<vmem>>) target_semaphore(%run_scoped3A_85 : memref<!tpu.dma_semaphore, #tpu.memory_space<semaphore_mem>>)
          %dma_wait3A_90 = tpu.memref_slice %arg2[%run_scoped3A, %mul3A_75] : memref<2x6400000xi32, #tpu.memory_space<hbm>> -> memref<1x6400xi32, #tpu.memory_space<hbm>>
          %dma_wait3A_91 = tpu.memref_squeeze %dma_wait3A_90 : memref<1x6400xi32, #tpu.memory_space<hbm>> -> memref<6400xi32, #tpu.memory_space<hbm>>
          %dma_wait3A_92 = tpu.memref_slice %arg2[%run_scoped3A, %mul3A_75] : memref<2x6400000xi32, #tpu.memory_space<hbm>> -> memref<1x6400xi32, #tpu.memory_space<hbm>>
          %dma_wait3A_93 = tpu.memref_squeeze %dma_wait3A_92 : memref<1x6400xi32, #tpu.memory_space<hbm>> -> memref<6400xi32, #tpu.memory_space<hbm>>
          tpu.wait_dma2 semaphore(%run_scoped3A_85 : memref<!tpu.dma_semaphore, #tpu.memory_space<semaphore_mem>>) src(%dma_wait3A_93 : memref<6400xi32, #tpu.memory_space<hbm>>) dst(%arg7 : memref<6400xi32, #tpu.memory_space<vmem>>)
          tpu.yield
        }) : () -> ()
        %broadcast_in_dim3A_76 = arith.constant -1 : i32
        %broadcast_in_dim3A_77 = vector.broadcast %broadcast_in_dim3A_76 : i32 to vector<16xi32>
        %parallel_loop3A_78 = arith.constant 0 : i32
        %parallel_loop3A_79 = arith.constant 400 : i32
        %parallel_loop3A_80 = arith.constant 4 : i32
        %parallel_loop3A_81:4 = scf.for %parallel_loop3A_85 = %parallel_loop3A_78 to %parallel_loop3A_79 step %parallel_loop3A_80 iter_args(%parallel_loop3A_86 = %broadcast_in_dim3A_18, %parallel_loop3A_87 = %broadcast_in_dim3A_18, %parallel_loop3A_88 = %broadcast_in_dim3A_18, %parallel_loop3A_89 = %broadcast_in_dim3A_18) -> (vector<16xi32>, vector<16xi32>, vector<16xi32>, vector<16xi32>)  : i32 {
          %parallel_loop3A_90 = arith.constant 0 : i32
          %parallel_loop3A_91 = arith.addi %parallel_loop3A_85, %parallel_loop3A_90 : i32
          %parallel_loop3A_92 = arith.constant 16 : i32
          %parallel_loop3A_93 = arith.muli %parallel_loop3A_91, %parallel_loop3A_92 : i32
          %parallel_loop3A_94 = arith.index_cast %parallel_loop3A_93 : i32 to index
          %parallel_loop3A_95 = tpu.vector_load %arg5[%parallel_loop3A_94] {strides = array<i32>} : memref<6400xi32, #tpu.memory_space<vmem>>, vector<16xi32>,
          %parallel_loop3A_96 = arith.constant 0 : i32
          %parallel_loop3A_97 = arith.addi %parallel_loop3A_85, %parallel_loop3A_96 : i32
          %parallel_loop3A_98 = vector.broadcast %parallel_loop3A_97 : i32 to vector<16xi32>
          %parallel_loop3A_99 = arith.cmpi eq, %parallel_loop3A_95, %get3A_1 : vector<16xi32>
          %parallel_loop3A_100 = arith.cmpi sgt, %parallel_loop3A_98, %broadcast_in_dim3A_77 : vector<16xi32>
          %parallel_loop3A_101 = arith.andi %parallel_loop3A_99, %parallel_loop3A_100 : vector<16xi1>
          %parallel_loop3A_102 = arith.select %parallel_loop3A_101, %parallel_loop3A_98, %broadcast_in_dim3A_18 : vector<16xi1>, vector<16xi32>
          %parallel_loop3A_103 = arith.minsi %parallel_loop3A_86, %parallel_loop3A_102 : vector<16xi32>
          %parallel_loop3A_104 = arith.constant 1 : i32
          %parallel_loop3A_105 = arith.addi %parallel_loop3A_85, %parallel_loop3A_104 : i32
          %parallel_loop3A_106 = arith.constant 16 : i32
          %parallel_loop3A_107 = arith.muli %parallel_loop3A_105, %parallel_loop3A_106 : i32
          %parallel_loop3A_108 = arith.index_cast %parallel_loop3A_107 : i32 to index
          %parallel_loop3A_109 = tpu.vector_load %arg5[%parallel_loop3A_108] {strides = array<i32>} : memref<6400xi32, #tpu.memory_space<vmem>>, vector<16xi32>,
          %parallel_loop3A_110 = arith.constant 1 : i32
          %parallel_loop3A_111 = arith.addi %parallel_loop3A_85, %parallel_loop3A_110 : i32
          %parallel_loop3A_112 = vector.broadcast %parallel_loop3A_111 : i32 to vector<16xi32>
          %parallel_loop3A_113 = arith.cmpi eq, %parallel_loop3A_109, %get3A_1 : vector<16xi32>
          %parallel_loop3A_114 = arith.cmpi sgt, %parallel_loop3A_112, %broadcast_in_dim3A_77 : vector<16xi32>
          %parallel_loop3A_115 = arith.andi %parallel_loop3A_113, %parallel_loop3A_114 : vector<16xi1>
          %parallel_loop3A_116 = arith.select %parallel_loop3A_115, %parallel_loop3A_112, %broadcast_in_dim3A_18 : vector<16xi1>, vector<16xi32>
          %parallel_loop3A_117 = arith.minsi %parallel_loop3A_87, %parallel_loop3A_116 : vector<16xi32>
          %parallel_loop3A_118 = arith.constant 2 : i32
          %parallel_loop3A_119 = arith.addi %parallel_loop3A_85, %parallel_loop3A_118 : i32
          %parallel_loop3A_120 = arith.constant 16 : i32
          %parallel_loop3A_121 = arith.muli %parallel_loop3A_119, %parallel_loop3A_120 : i32
          %parallel_loop3A_122 = arith.index_cast %parallel_loop3A_121 : i32 to index
          %parallel_loop3A_123 = tpu.vector_load %arg5[%parallel_loop3A_122] {strides = array<i32>} : memref<6400xi32, #tpu.memory_space<vmem>>, vector<16xi32>,
          %parallel_loop3A_124 = arith.constant 2 : i32
          %parallel_loop3A_125 = arith.addi %parallel_loop3A_85, %parallel_loop3A_124 : i32
          %parallel_loop3A_126 = vector.broadcast %parallel_loop3A_125 : i32 to vector<16xi32>
          %parallel_loop3A_127 = arith.cmpi eq, %parallel_loop3A_123, %get3A_1 : vector<16xi32>
          %parallel_loop3A_128 = arith.cmpi sgt, %parallel_loop3A_126, %broadcast_in_dim3A_77 : vector<16xi32>
          %parallel_loop3A_129 = arith.andi %parallel_loop3A_127, %parallel_loop3A_128 : vector<16xi1>
          %parallel_loop3A_130 = arith.select %parallel_loop3A_129, %parallel_loop3A_126, %broadcast_in_dim3A_18 : vector<16xi1>, vector<16xi32>
          %parallel_loop3A_131 = arith.minsi %parallel_loop3A_88, %parallel_loop3A_130 : vector<16xi32>
          %parallel_loop3A_132 = arith.constant 3 : i32
          %parallel_loop3A_133 = arith.addi %parallel_loop3A_85, %parallel_loop3A_132 : i32
          %parallel_loop3A_134 = arith.constant 16 : i32
          %parallel_loop3A_135 = arith.muli %parallel_loop3A_133, %parallel_loop3A_134 : i32
          %parallel_loop3A_136 = arith.index_cast %parallel_loop3A_135 : i32 to index
          %parallel_loop3A_137 = tpu.vector_load %arg5[%parallel_loop3A_136] {strides = array<i32>} : memref<6400xi32, #tpu.memory_space<vmem>>, vector<16xi32>,
          %parallel_loop3A_138 = arith.constant 3 : i32
          %parallel_loop3A_139 = arith.addi %parallel_loop3A_85, %parallel_loop3A_138 : i32
          %parallel_loop3A_140 = vector.broadcast %parallel_loop3A_139 : i32 to vector<16xi32>
          %parallel_loop3A_141 = arith.cmpi eq, %parallel_loop3A_137, %get3A_1 : vector<16xi32>
          %parallel_loop3A_142 = arith.cmpi sgt, %parallel_loop3A_140, %broadcast_in_dim3A_77 : vector<16xi32>
          %parallel_loop3A_143 = arith.andi %parallel_loop3A_141, %parallel_loop3A_142 : vector<16xi1>
          %parallel_loop3A_144 = arith.select %parallel_loop3A_143, %parallel_loop3A_140, %broadcast_in_dim3A_18 : vector<16xi1>, vector<16xi32>
          %parallel_loop3A_145 = arith.minsi %parallel_loop3A_89, %parallel_loop3A_144 : vector<16xi32>
          scf.yield %parallel_loop3A_103, %parallel_loop3A_117, %parallel_loop3A_131, %parallel_loop3A_145 : vector<16xi32>, vector<16xi32>, vector<16xi32>, vector<16xi32>
        } {sc.loop_unroll_factor = 2 : i64, sc.parallel_access}
        %min3A_82 = arith.minsi %parallel_loop3A_81#0, %parallel_loop3A_81#1 : vector<16xi32>
        %min3A_83 = arith.minsi %parallel_loop3A_81#2, %parallel_loop3A_81#3 : vector<16xi32>
        %min3A_84 = arith.minsi %min3A_82, %min3A_83 : vector<16xi32>
        %while3A = scf.while (%while3A_85 = %min3A_84) : (vector<16xi32>) -> vector<16xi32> {
          %ne3A = arith.cmpi ne, %while3A_85, %broadcast_in_dim3A_18 : vector<16xi32>
          %all_reduce_population_count3A_86 = tpu.all_reduce %ne3A {dim = 0 : i64, kind = #tpu.reduction_kind<sum>} : vector<16xi1> -> vector<16xi32>
          %slice3A_87 = vector.extract_strided_slice %all_reduce_population_count3A_86 {offsets = [0], sizes = [1], strides = [1]} : vector<16xi32> to vector<1xi32>
          %squeeze3A_88 = vector.extract %slice3A_87[0] : i32 from vector<1xi32>
          %gt3A_89 = arith.constant 0 : i32
          %gt3A_90 = arith.cmpi sgt, %squeeze3A_88, %gt3A_89 : i32
          scf.condition(%gt3A_90) %while3A_85 : vector<16xi32>
        } do {
        ^bb0(%while3A_85: vector<16xi32>):
          %ne3A = arith.cmpi ne, %while3A_85, %broadcast_in_dim3A_18 : vector<16xi32>
          %jit3A = arith.constant 0 : i32
          %broadcast_in_dim3A_86 = vector.broadcast %jit3A : i32 to vector<16xi32>
          %select_n3A = arith.select %ne3A, %while3A_85, %broadcast_in_dim3A_86 : vector<16xi1>, vector<16xi32>
          %mul3A_87 = arith.constant 16 : i32
          %mul3A_88 = vector.broadcast %mul3A_87 : i32 to vector<16xi32>
          %mul3A_89 = arith.muli %select_n3A, %mul3A_88 : vector<16xi32>
          %add3A_90 = arith.addi %mul3A_89, %iota3A : vector<16xi32>
          %gather3A = tpu.vector_load_idx %arg7[%add3A_90] : memref<6400xi32, #tpu.memory_space<vmem>>[vector<16xi32>], vector<16xi32>,
          %ne3A_91 = arith.cmpi ne, %gather3A, %get3A_1 : vector<16xi32>
          %and3A = arith.andi %ne3A, %ne3A_91 : vector<16xi1>
          %add3A_92 = vector.broadcast %mul3A_14 : i32 to vector<16xi32>
          %add3A_93 = arith.addi %gather3A, %add3A_92 : vector<16xi32>
          %add3A_94 = arith.constant 100000 : i32
          %add3A_95 = arith.addi %mul3A_14, %add3A_94 : i32
          %add3A_96 = vector.broadcast %add3A_95 : i32 to vector<16xi32>
          %add3A_97 = arith.addi %add3A_96, %iota3A : vector<16xi32>
          %select_n3A_98 = arith.select %and3A, %add3A_93, %add3A_97 : vector<16xi1>, vector<16xi32>
          %dma_start3A_99 = arith.constant 0 : i32
          %dma_start3A_100 = tpu.memref_slice %arg4[%dma_start3A_99] : memref<200704xf32, #tpu.memory_space<hbm>> -> memref<200704xf32, #tpu.memory_space<hbm>>
          tpu.enqueue_indirect_dma source(%arg9 : memref<16xf32, #tpu.memory_space<vmem>>) target(%dma_start3A_100 : memref<200704xf32, #tpu.memory_space<hbm>>) offsets(%select_n3A_98 : vector<16xi32>) semaphore(%arg13 : memref<!tpu.dma_semaphore, #tpu.memory_space<semaphore_mem>>)
          %dma_wait3A_101 = arith.constant 0 : i32
          %dma_wait3A_102 = tpu.memref_slice %arg4[%dma_wait3A_101] : memref<200704xf32, #tpu.memory_space<hbm>> -> memref<200704xf32, #tpu.memory_space<hbm>>
          tpu.wait_indirect_dma semaphore(%arg13 : memref<!tpu.dma_semaphore, #tpu.memory_space<semaphore_mem>>) src(%arg9 : memref<16xf32, #tpu.memory_space<vmem>>) dst(%dma_wait3A_102 : memref<200704xf32, #tpu.memory_space<hbm>>)
          %parallel_loop3A_103 = arith.constant 0 : i32
          %parallel_loop3A_104 = arith.constant 400 : i32
          %parallel_loop3A_105 = arith.constant 4 : i32
          %parallel_loop3A_106:4 = scf.for %parallel_loop3A_110 = %parallel_loop3A_103 to %parallel_loop3A_104 step %parallel_loop3A_105 iter_args(%parallel_loop3A_111 = %broadcast_in_dim3A_18, %parallel_loop3A_112 = %broadcast_in_dim3A_18, %parallel_loop3A_113 = %broadcast_in_dim3A_18, %parallel_loop3A_114 = %broadcast_in_dim3A_18) -> (vector<16xi32>, vector<16xi32>, vector<16xi32>, vector<16xi32>)  : i32 {
            %parallel_loop3A_115 = arith.constant 0 : i32
            %parallel_loop3A_116 = arith.addi %parallel_loop3A_110, %parallel_loop3A_115 : i32
            %parallel_loop3A_117 = arith.constant 16 : i32
            %parallel_loop3A_118 = arith.muli %parallel_loop3A_116, %parallel_loop3A_117 : i32
            %parallel_loop3A_119 = arith.index_cast %parallel_loop3A_118 : i32 to index
            %parallel_loop3A_120 = tpu.vector_load %arg5[%parallel_loop3A_119] {strides = array<i32>} : memref<6400xi32, #tpu.memory_space<vmem>>, vector<16xi32>,
            %parallel_loop3A_121 = arith.constant 0 : i32
            %parallel_loop3A_122 = arith.addi %parallel_loop3A_110, %parallel_loop3A_121 : i32
            %parallel_loop3A_123 = vector.broadcast %parallel_loop3A_122 : i32 to vector<16xi32>
            %parallel_loop3A_124 = arith.cmpi eq, %parallel_loop3A_120, %get3A_1 : vector<16xi32>
            %parallel_loop3A_125 = arith.cmpi sgt, %parallel_loop3A_123, %while3A_85 : vector<16xi32>
            %parallel_loop3A_126 = arith.andi %parallel_loop3A_124, %parallel_loop3A_125 : vector<16xi1>
            %parallel_loop3A_127 = arith.select %parallel_loop3A_126, %parallel_loop3A_123, %broadcast_in_dim3A_18 : vector<16xi1>, vector<16xi32>
            %parallel_loop3A_128 = arith.minsi %parallel_loop3A_111, %parallel_loop3A_127 : vector<16xi32>
            %parallel_loop3A_129 = arith.constant 1 : i32
            %parallel_loop3A_130 = arith.addi %parallel_loop3A_110, %parallel_loop3A_129 : i32
            %parallel_loop3A_131 = arith.constant 16 : i32
            %parallel_loop3A_132 = arith.muli %parallel_loop3A_130, %parallel_loop3A_131 : i32
            %parallel_loop3A_133 = arith.index_cast %parallel_loop3A_132 : i32 to index
            %parallel_loop3A_134 = tpu.vector_load %arg5[%parallel_loop3A_133] {strides = array<i32>} : memref<6400xi32, #tpu.memory_space<vmem>>, vector<16xi32>,
            %parallel_loop3A_135 = arith.constant 1 : i32
            %parallel_loop3A_136 = arith.addi %parallel_loop3A_110, %parallel_loop3A_135 : i32
            %parallel_loop3A_137 = vector.broadcast %parallel_loop3A_136 : i32 to vector<16xi32>
            %parallel_loop3A_138 = arith.cmpi eq, %parallel_loop3A_134, %get3A_1 : vector<16xi32>
            %parallel_loop3A_139 = arith.cmpi sgt, %parallel_loop3A_137, %while3A_85 : vector<16xi32>
            %parallel_loop3A_140 = arith.andi %parallel_loop3A_138, %parallel_loop3A_139 : vector<16xi1>
            %parallel_loop3A_141 = arith.select %parallel_loop3A_140, %parallel_loop3A_137, %broadcast_in_dim3A_18 : vector<16xi1>, vector<16xi32>
            %parallel_loop3A_142 = arith.minsi %parallel_loop3A_112, %parallel_loop3A_141 : vector<16xi32>
            %parallel_loop3A_143 = arith.constant 2 : i32
            %parallel_loop3A_144 = arith.addi %parallel_loop3A_110, %parallel_loop3A_143 : i32
            %parallel_loop3A_145 = arith.constant 16 : i32
            %parallel_loop3A_146 = arith.muli %parallel_loop3A_144, %parallel_loop3A_145 : i32
            %parallel_loop3A_147 = arith.index_cast %parallel_loop3A_146 : i32 to index
            %parallel_loop3A_148 = tpu.vector_load %arg5[%parallel_loop3A_147] {strides = array<i32>} : memref<6400xi32, #tpu.memory_space<vmem>>, vector<16xi32>,
            %parallel_loop3A_149 = arith.constant 2 : i32
            %parallel_loop3A_150 = arith.addi %parallel_loop3A_110, %parallel_loop3A_149 : i32
            %parallel_loop3A_151 = vector.broadcast %parallel_loop3A_150 : i32 to vector<16xi32>
            %parallel_loop3A_152 = arith.cmpi eq, %parallel_loop3A_148, %get3A_1 : vector<16xi32>
            %parallel_loop3A_153 = arith.cmpi sgt, %parallel_loop3A_151, %while3A_85 : vector<16xi32>
            %parallel_loop3A_154 = arith.andi %parallel_loop3A_152, %parallel_loop3A_153 : vector<16xi1>
            %parallel_loop3A_155 = arith.select %parallel_loop3A_154, %parallel_loop3A_151, %broadcast_in_dim3A_18 : vector<16xi1>, vector<16xi32>
            %parallel_loop3A_156 = arith.minsi %parallel_loop3A_113, %parallel_loop3A_155 : vector<16xi32>
            %parallel_loop3A_157 = arith.constant 3 : i32
            %parallel_loop3A_158 = arith.addi %parallel_loop3A_110, %parallel_loop3A_157 : i32
            %parallel_loop3A_159 = arith.constant 16 : i32
            %parallel_loop3A_160 = arith.muli %parallel_loop3A_158, %parallel_loop3A_159 : i32
            %parallel_loop3A_161 = arith.index_cast %parallel_loop3A_160 : i32 to index
            %parallel_loop3A_162 = tpu.vector_load %arg5[%parallel_loop3A_161] {strides = array<i32>} : memref<6400xi32, #tpu.memory_space<vmem>>, vector<16xi32>,
            %parallel_loop3A_163 = arith.constant 3 : i32
            %parallel_loop3A_164 = arith.addi %parallel_loop3A_110, %parallel_loop3A_163 : i32
            %parallel_loop3A_165 = vector.broadcast %parallel_loop3A_164 : i32 to vector<16xi32>
            %parallel_loop3A_166 = arith.cmpi eq, %parallel_loop3A_162, %get3A_1 : vector<16xi32>
            %parallel_loop3A_167 = arith.cmpi sgt, %parallel_loop3A_165, %while3A_85 : vector<16xi32>
            %parallel_loop3A_168 = arith.andi %parallel_loop3A_166, %parallel_loop3A_167 : vector<16xi1>
            %parallel_loop3A_169 = arith.select %parallel_loop3A_168, %parallel_loop3A_165, %broadcast_in_dim3A_18 : vector<16xi1>, vector<16xi32>
            %parallel_loop3A_170 = arith.minsi %parallel_loop3A_114, %parallel_loop3A_169 : vector<16xi32>
            scf.yield %parallel_loop3A_128, %parallel_loop3A_142, %parallel_loop3A_156, %parallel_loop3A_170 : vector<16xi32>, vector<16xi32>, vector<16xi32>, vector<16xi32>
          } {sc.loop_unroll_factor = 2 : i64, sc.parallel_access}
          %min3A_107 = arith.minsi %parallel_loop3A_106#0, %parallel_loop3A_106#1 : vector<16xi32>
          %min3A_108 = arith.minsi %parallel_loop3A_106#2, %parallel_loop3A_106#3 : vector<16xi32>
          %min3A_109 = arith.minsi %min3A_107, %min3A_108 : vector<16xi32>
          scf.yield %min3A_109 : vector<16xi32>
        }
      } else {
      }
      %lt3A_64 = arith.constant 1000 : i32
      %lt3A_65 = arith.cmpi slt, %add3A_39, %lt3A_64 : i32
      %convert_element_type3A_66 = arith.extui %lt3A_65 : i1 to i32
      %cond3A_67 = arith.constant 0 : i32
      %cond3A_68 = arith.cmpi ne, %convert_element_type3A_66, %cond3A_67 : i32
      scf.if %cond3A_68 {
        %mul3A_74 = arith.constant 6400 : i32
        %mul3A_75 = arith.muli %add3A_39, %mul3A_74 : i32
        %dma_start3A_76 = arith.constant 1 : i32
        %dma_start3A_77 = tpu.memref_slice %arg2[%dma_start3A_76, %mul3A_75] : memref<2x6400000xi32, #tpu.memory_space<hbm>> -> memref<1x6400xi32, #tpu.memory_space<hbm>>
        %dma_start3A_78 = tpu.memref_squeeze %dma_start3A_77 : memref<1x6400xi32, #tpu.memory_space<hbm>> -> memref<6400xi32, #tpu.memory_space<hbm>>
        %dma_start3A_79 = tpu.memref_slice %arg2[%dma_start3A_76, %mul3A_75] : memref<2x6400000xi32, #tpu.memory_space<hbm>> -> memref<1x6400xi32, #tpu.memory_space<hbm>>
        %dma_start3A_80 = tpu.memref_squeeze %dma_start3A_79 : memref<1x6400xi32, #tpu.memory_space<hbm>> -> memref<6400xi32, #tpu.memory_space<hbm>>
        tpu.enqueue_dma source(%dma_start3A_80 : memref<6400xi32, #tpu.memory_space<hbm>>) target(%arg5 : memref<6400xi32, #tpu.memory_space<vmem>>) target_semaphore(%arg11 : memref<!tpu.dma_semaphore, #tpu.memory_space<semaphore_mem>>)
      } else {
      }
      %lt3A_69 = arith.constant 1000 : i32
      %lt3A_70 = arith.cmpi slt, %add3A_37, %lt3A_69 : i32
      %convert_element_type3A_71 = arith.extui %lt3A_70 : i1 to i32
      %cond3A_72 = arith.constant 0 : i32
      %cond3A_73 = arith.cmpi ne, %convert_element_type3A_71, %cond3A_72 : i32
      scf.if %cond3A_73 {
        %mul3A_74 = arith.constant 6400 : i32
        %mul3A_75 = arith.muli %add3A_37, %mul3A_74 : i32
        %dma_wait3A_76 = arith.constant 1 : i32
        %dma_wait3A_77 = tpu.memref_slice %arg2[%dma_wait3A_76, %mul3A_75] : memref<2x6400000xi32, #tpu.memory_space<hbm>> -> memref<1x6400xi32, #tpu.memory_space<hbm>>
        %dma_wait3A_78 = tpu.memref_squeeze %dma_wait3A_77 : memref<1x6400xi32, #tpu.memory_space<hbm>> -> memref<6400xi32, #tpu.memory_space<hbm>>
        %dma_wait3A_79 = tpu.memref_slice %arg2[%dma_wait3A_76, %mul3A_75] : memref<2x6400000xi32, #tpu.memory_space<hbm>> -> memref<1x6400xi32, #tpu.memory_space<hbm>>
        %dma_wait3A_80 = tpu.memref_squeeze %dma_wait3A_79 : memref<1x6400xi32, #tpu.memory_space<hbm>> -> memref<6400xi32, #tpu.memory_space<hbm>>
        tpu.wait_dma2 semaphore(%arg12 : memref<!tpu.dma_semaphore, #tpu.memory_space<semaphore_mem>>) src(%dma_wait3A_80 : memref<6400xi32, #tpu.memory_space<hbm>>) dst(%arg6 : memref<6400xi32, #tpu.memory_space<vmem>>)
        %parallel_loop3A_81 = arith.constant 0 : i32
        %parallel_loop3A_82 = arith.constant 400 : i32
        %parallel_loop3A_83 = arith.constant 8 : i32
        %parallel_loop3A_84:8 = scf.for %parallel_loop3A_103 = %parallel_loop3A_81 to %parallel_loop3A_82 step %parallel_loop3A_83 iter_args(%parallel_loop3A_104 = %broadcast_in_dim3A_16, %parallel_loop3A_105 = %broadcast_in_dim3A_16, %parallel_loop3A_106 = %broadcast_in_dim3A_16, %parallel_loop3A_107 = %broadcast_in_dim3A_16, %parallel_loop3A_108 = %broadcast_in_dim3A_16, %parallel_loop3A_109 = %broadcast_in_dim3A_16, %parallel_loop3A_110 = %broadcast_in_dim3A_16, %parallel_loop3A_111 = %broadcast_in_dim3A_16) -> (vector<16xi32>, vector<16xi32>, vector<16xi32>, vector<16xi32>, vector<16xi32>, vector<16xi32>, vector<16xi32>, vector<16xi32>)  : i32 {
          %parallel_loop3A_112 = arith.constant 16 : i32
          %parallel_loop3A_113 = arith.muli %parallel_loop3A_103, %parallel_loop3A_112 : i32
          %parallel_loop3A_114 = arith.constant 0 : i32
          %parallel_loop3A_115 = arith.addi %parallel_loop3A_113, %parallel_loop3A_114 : i32
          %parallel_loop3A_116 = arith.index_cast %parallel_loop3A_115 : i32 to index
          %parallel_loop3A_117 = tpu.vector_load %arg6[%parallel_loop3A_116] {strides = array<i32>} : memref<6400xi32, #tpu.memory_space<vmem>>, vector<16xi32>,
          %parallel_loop3A_118 = arith.xori %parallel_loop3A_117, %get3A_1 : vector<16xi32>
          %parallel_loop3A_119 = arith.minsi %parallel_loop3A_104, %parallel_loop3A_118 : vector<16xi32>
          %parallel_loop3A_120 = arith.constant 16 : i32
          %parallel_loop3A_121 = arith.addi %parallel_loop3A_113, %parallel_loop3A_120 : i32
          %parallel_loop3A_122 = arith.index_cast %parallel_loop3A_121 : i32 to index
          %parallel_loop3A_123 = tpu.vector_load %arg6[%parallel_loop3A_122] {strides = array<i32>} : memref<6400xi32, #tpu.memory_space<vmem>>, vector<16xi32>,
          %parallel_loop3A_124 = arith.xori %parallel_loop3A_123, %get3A_1 : vector<16xi32>
          %parallel_loop3A_125 = arith.minsi %parallel_loop3A_105, %parallel_loop3A_124 : vector<16xi32>
          %parallel_loop3A_126 = arith.constant 32 : i32
          %parallel_loop3A_127 = arith.addi %parallel_loop3A_113, %parallel_loop3A_126 : i32
          %parallel_loop3A_128 = arith.index_cast %parallel_loop3A_127 : i32 to index
          %parallel_loop3A_129 = tpu.vector_load %arg6[%parallel_loop3A_128] {strides = array<i32>} : memref<6400xi32, #tpu.memory_space<vmem>>, vector<16xi32>,
          %parallel_loop3A_130 = arith.xori %parallel_loop3A_129, %get3A_1 : vector<16xi32>
          %parallel_loop3A_131 = arith.minsi %parallel_loop3A_106, %parallel_loop3A_130 : vector<16xi32>
          %parallel_loop3A_132 = arith.constant 48 : i32
          %parallel_loop3A_133 = arith.addi %parallel_loop3A_113, %parallel_loop3A_132 : i32
          %parallel_loop3A_134 = arith.index_cast %parallel_loop3A_133 : i32 to index
          %parallel_loop3A_135 = tpu.vector_load %arg6[%parallel_loop3A_134] {strides = array<i32>} : memref<6400xi32, #tpu.memory_space<vmem>>, vector<16xi32>,
          %parallel_loop3A_136 = arith.xori %parallel_loop3A_135, %get3A_1 : vector<16xi32>
          %parallel_loop3A_137 = arith.minsi %parallel_loop3A_107, %parallel_loop3A_136 : vector<16xi32>
          %parallel_loop3A_138 = arith.constant 64 : i32
          %parallel_loop3A_139 = arith.addi %parallel_loop3A_113, %parallel_loop3A_138 : i32
          %parallel_loop3A_140 = arith.index_cast %parallel_loop3A_139 : i32 to index
          %parallel_loop3A_141 = tpu.vector_load %arg6[%parallel_loop3A_140] {strides = array<i32>} : memref<6400xi32, #tpu.memory_space<vmem>>, vector<16xi32>,
          %parallel_loop3A_142 = arith.xori %parallel_loop3A_141, %get3A_1 : vector<16xi32>
          %parallel_loop3A_143 = arith.minsi %parallel_loop3A_108, %parallel_loop3A_142 : vector<16xi32>
          %parallel_loop3A_144 = arith.constant 80 : i32
          %parallel_loop3A_145 = arith.addi %parallel_loop3A_113, %parallel_loop3A_144 : i32
          %parallel_loop3A_146 = arith.index_cast %parallel_loop3A_145 : i32 to index
          %parallel_loop3A_147 = tpu.vector_load %arg6[%parallel_loop3A_146] {strides = array<i32>} : memref<6400xi32, #tpu.memory_space<vmem>>, vector<16xi32>,
          %parallel_loop3A_148 = arith.xori %parallel_loop3A_147, %get3A_1 : vector<16xi32>
          %parallel_loop3A_149 = arith.minsi %parallel_loop3A_109, %parallel_loop3A_148 : vector<16xi32>
          %parallel_loop3A_150 = arith.constant 96 : i32
          %parallel_loop3A_151 = arith.addi %parallel_loop3A_113, %parallel_loop3A_150 : i32
          %parallel_loop3A_152 = arith.index_cast %parallel_loop3A_151 : i32 to index
          %parallel_loop3A_153 = tpu.vector_load %arg6[%parallel_loop3A_152] {strides = array<i32>} : memref<6400xi32, #tpu.memory_space<vmem>>, vector<16xi32>,
          %parallel_loop3A_154 = arith.xori %parallel_loop3A_153, %get3A_1 : vector<16xi32>
          %parallel_loop3A_155 = arith.minsi %parallel_loop3A_110, %parallel_loop3A_154 : vector<16xi32>
          %parallel_loop3A_156 = arith.constant 112 : i32
          %parallel_loop3A_157 = arith.addi %parallel_loop3A_113, %parallel_loop3A_156 : i32
          %parallel_loop3A_158 = arith.index_cast %parallel_loop3A_157 : i32 to index
          %parallel_loop3A_159 = tpu.vector_load %arg6[%parallel_loop3A_158] {strides = array<i32>} : memref<6400xi32, #tpu.memory_space<vmem>>, vector<16xi32>,
          %parallel_loop3A_160 = arith.xori %parallel_loop3A_159, %get3A_1 : vector<16xi32>
          %parallel_loop3A_161 = arith.minsi %parallel_loop3A_111, %parallel_loop3A_160 : vector<16xi32>
          scf.yield %parallel_loop3A_119, %parallel_loop3A_125, %parallel_loop3A_131, %parallel_loop3A_137, %parallel_loop3A_143, %parallel_loop3A_149, %parallel_loop3A_155, %parallel_loop3A_161 : vector<16xi32>, vector<16xi32>, vector<16xi32>, vector<16xi32>, vector<16xi32>, vector<16xi32>, vector<16xi32>, vector<16xi32>
        } {sc.loop_unroll_factor = 4 : i64, sc.parallel_access}
        %min3A_85 = arith.minsi %parallel_loop3A_84#0, %parallel_loop3A_84#1 : vector<16xi32>
        %min3A_86 = arith.minsi %parallel_loop3A_84#2, %parallel_loop3A_84#3 : vector<16xi32>
        %min3A_87 = arith.minsi %parallel_loop3A_84#4, %parallel_loop3A_84#5 : vector<16xi32>
        %min3A_88 = arith.minsi %parallel_loop3A_84#6, %parallel_loop3A_84#7 : vector<16xi32>
        %min3A_89 = arith.minsi %min3A_85, %min3A_86 : vector<16xi32>
        %min3A_90 = arith.minsi %min3A_87, %min3A_88 : vector<16xi32>
        %min3A_91 = arith.minsi %min3A_89, %min3A_90 : vector<16xi32>
        %eq3A_92 = arith.constant 0 : i32
        %eq3A_93 = vector.broadcast %eq3A_92 : i32 to vector<16xi32>
        %eq3A_94 = arith.cmpi eq, %min3A_91, %eq3A_93 : vector<16xi32>
        %all_reduce_population_count3A_95 = tpu.all_reduce %eq3A_94 {dim = 0 : i64, kind = #tpu.reduction_kind<sum>} : vector<16xi1> -> vector<16xi32>
        %slice3A_96 = vector.extract_strided_slice %all_reduce_population_count3A_95 {offsets = [0], sizes = [1], strides = [1]} : vector<16xi32> to vector<1xi32>
        %squeeze3A_97 = vector.extract %slice3A_96[0] : i32 from vector<1xi32>
        %gt3A_98 = arith.constant 0 : i32
        %gt3A_99 = arith.cmpi sgt, %squeeze3A_97, %gt3A_98 : i32
        %convert_element_type3A_100 = arith.extui %gt3A_99 : i1 to i32
        %cond3A_101 = arith.constant 0 : i32
        %cond3A_102 = arith.cmpi ne, %convert_element_type3A_100, %cond3A_101 : i32
        scf.if %cond3A_102 {
          %mul3A_103 = arith.constant 6400 : i32
          %mul3A_104 = arith.muli %add3A_37, %mul3A_103 : i32
          %run_scoped3A = arith.constant 0 : i32
          "tpu.region"() ({
            %run_scoped3A_114 = tpu.sem_alloc : memref<!tpu.dma_semaphore, #tpu.memory_space<semaphore_mem>>
            %dma_start3A_115 = tpu.memref_slice %arg2[%run_scoped3A, %mul3A_104] : memref<2x6400000xi32, #tpu.memory_space<hbm>> -> memref<1x6400xi32, #tpu.memory_space<hbm>>
            %dma_start3A_116 = tpu.memref_squeeze %dma_start3A_115 : memref<1x6400xi32, #tpu.memory_space<hbm>> -> memref<6400xi32, #tpu.memory_space<hbm>>
            %dma_start3A_117 = tpu.memref_slice %arg2[%run_scoped3A, %mul3A_104] : memref<2x6400000xi32, #tpu.memory_space<hbm>> -> memref<1x6400xi32, #tpu.memory_space<hbm>>
            %dma_start3A_118 = tpu.memref_squeeze %dma_start3A_117 : memref<1x6400xi32, #tpu.memory_space<hbm>> -> memref<6400xi32, #tpu.memory_space<hbm>>
            tpu.enqueue_dma source(%dma_start3A_118 : memref<6400xi32, #tpu.memory_space<hbm>>) target(%arg7 : memref<6400xi32, #tpu.memory_space<vmem>>) target_semaphore(%run_scoped3A_114 : memref<!tpu.dma_semaphore, #tpu.memory_space<semaphore_mem>>)
            %dma_wait3A_119 = tpu.memref_slice %arg2[%run_scoped3A, %mul3A_104] : memref<2x6400000xi32, #tpu.memory_space<hbm>> -> memref<1x6400xi32, #tpu.memory_space<hbm>>
            %dma_wait3A_120 = tpu.memref_squeeze %dma_wait3A_119 : memref<1x6400xi32, #tpu.memory_space<hbm>> -> memref<6400xi32, #tpu.memory_space<hbm>>
            %dma_wait3A_121 = tpu.memref_slice %arg2[%run_scoped3A, %mul3A_104] : memref<2x6400000xi32, #tpu.memory_space<hbm>> -> memref<1x6400xi32, #tpu.memory_space<hbm>>
            %dma_wait3A_122 = tpu.memref_squeeze %dma_wait3A_121 : memref<1x6400xi32, #tpu.memory_space<hbm>> -> memref<6400xi32, #tpu.memory_space<hbm>>
            tpu.wait_dma2 semaphore(%run_scoped3A_114 : memref<!tpu.dma_semaphore, #tpu.memory_space<semaphore_mem>>) src(%dma_wait3A_122 : memref<6400xi32, #tpu.memory_space<hbm>>) dst(%arg7 : memref<6400xi32, #tpu.memory_space<vmem>>)
            tpu.yield
          }) : () -> ()
          %broadcast_in_dim3A_105 = arith.constant -1 : i32
          %broadcast_in_dim3A_106 = vector.broadcast %broadcast_in_dim3A_105 : i32 to vector<16xi32>
          %parallel_loop3A_107 = arith.constant 0 : i32
          %parallel_loop3A_108 = arith.constant 400 : i32
          %parallel_loop3A_109 = arith.constant 4 : i32
          %parallel_loop3A_110:4 = scf.for %parallel_loop3A_114 = %parallel_loop3A_107 to %parallel_loop3A_108 step %parallel_loop3A_109 iter_args(%parallel_loop3A_115 = %broadcast_in_dim3A_18, %parallel_loop3A_116 = %broadcast_in_dim3A_18, %parallel_loop3A_117 = %broadcast_in_dim3A_18, %parallel_loop3A_118 = %broadcast_in_dim3A_18) -> (vector<16xi32>, vector<16xi32>, vector<16xi32>, vector<16xi32>)  : i32 {
            %parallel_loop3A_119 = arith.constant 0 : i32
            %parallel_loop3A_120 = arith.addi %parallel_loop3A_114, %parallel_loop3A_119 : i32
            %parallel_loop3A_121 = arith.constant 16 : i32
            %parallel_loop3A_122 = arith.muli %parallel_loop3A_120, %parallel_loop3A_121 : i32
            %parallel_loop3A_123 = arith.index_cast %parallel_loop3A_122 : i32 to index
            %parallel_loop3A_124 = tpu.vector_load %arg6[%parallel_loop3A_123] {strides = array<i32>} : memref<6400xi32, #tpu.memory_space<vmem>>, vector<16xi32>,
            %parallel_loop3A_125 = arith.constant 0 : i32
            %parallel_loop3A_126 = arith.addi %parallel_loop3A_114, %parallel_loop3A_125 : i32
            %parallel_loop3A_127 = vector.broadcast %parallel_loop3A_126 : i32 to vector<16xi32>
            %parallel_loop3A_128 = arith.cmpi eq, %parallel_loop3A_124, %get3A_1 : vector<16xi32>
            %parallel_loop3A_129 = arith.cmpi sgt, %parallel_loop3A_127, %broadcast_in_dim3A_106 : vector<16xi32>
            %parallel_loop3A_130 = arith.andi %parallel_loop3A_128, %parallel_loop3A_129 : vector<16xi1>
            %parallel_loop3A_131 = arith.select %parallel_loop3A_130, %parallel_loop3A_127, %broadcast_in_dim3A_18 : vector<16xi1>, vector<16xi32>
            %parallel_loop3A_132 = arith.minsi %parallel_loop3A_115, %parallel_loop3A_131 : vector<16xi32>
            %parallel_loop3A_133 = arith.constant 1 : i32
            %parallel_loop3A_134 = arith.addi %parallel_loop3A_114, %parallel_loop3A_133 : i32
            %parallel_loop3A_135 = arith.constant 16 : i32
            %parallel_loop3A_136 = arith.muli %parallel_loop3A_134, %parallel_loop3A_135 : i32
            %parallel_loop3A_137 = arith.index_cast %parallel_loop3A_136 : i32 to index
            %parallel_loop3A_138 = tpu.vector_load %arg6[%parallel_loop3A_137] {strides = array<i32>} : memref<6400xi32, #tpu.memory_space<vmem>>, vector<16xi32>,
            %parallel_loop3A_139 = arith.constant 1 : i32
            %parallel_loop3A_140 = arith.addi %parallel_loop3A_114, %parallel_loop3A_139 : i32
            %parallel_loop3A_141 = vector.broadcast %parallel_loop3A_140 : i32 to vector<16xi32>
            %parallel_loop3A_142 = arith.cmpi eq, %parallel_loop3A_138, %get3A_1 : vector<16xi32>
            %parallel_loop3A_143 = arith.cmpi sgt, %parallel_loop3A_141, %broadcast_in_dim3A_106 : vector<16xi32>
            %parallel_loop3A_144 = arith.andi %parallel_loop3A_142, %parallel_loop3A_143 : vector<16xi1>
            %parallel_loop3A_145 = arith.select %parallel_loop3A_144, %parallel_loop3A_141, %broadcast_in_dim3A_18 : vector<16xi1>, vector<16xi32>
            %parallel_loop3A_146 = arith.minsi %parallel_loop3A_116, %parallel_loop3A_145 : vector<16xi32>
            %parallel_loop3A_147 = arith.constant 2 : i32
            %parallel_loop3A_148 = arith.addi %parallel_loop3A_114, %parallel_loop3A_147 : i32
            %parallel_loop3A_149 = arith.constant 16 : i32
            %parallel_loop3A_150 = arith.muli %parallel_loop3A_148, %parallel_loop3A_149 : i32
            %parallel_loop3A_151 = arith.index_cast %parallel_loop3A_150 : i32 to index
            %parallel_loop3A_152 = tpu.vector_load %arg6[%parallel_loop3A_151] {strides = array<i32>} : memref<6400xi32, #tpu.memory_space<vmem>>, vector<16xi32>,
            %parallel_loop3A_153 = arith.constant 2 : i32
            %parallel_loop3A_154 = arith.addi %parallel_loop3A_114, %parallel_loop3A_153 : i32
            %parallel_loop3A_155 = vector.broadcast %parallel_loop3A_154 : i32 to vector<16xi32>
            %parallel_loop3A_156 = arith.cmpi eq, %parallel_loop3A_152, %get3A_1 : vector<16xi32>
            %parallel_loop3A_157 = arith.cmpi sgt, %parallel_loop3A_155, %broadcast_in_dim3A_106 : vector<16xi32>
            %parallel_loop3A_158 = arith.andi %parallel_loop3A_156, %parallel_loop3A_157 : vector<16xi1>
            %parallel_loop3A_159 = arith.select %parallel_loop3A_158, %parallel_loop3A_155, %broadcast_in_dim3A_18 : vector<16xi1>, vector<16xi32>
            %parallel_loop3A_160 = arith.minsi %parallel_loop3A_117, %parallel_loop3A_159 : vector<16xi32>
            %parallel_loop3A_161 = arith.constant 3 : i32
            %parallel_loop3A_162 = arith.addi %parallel_loop3A_114, %parallel_loop3A_161 : i32
            %parallel_loop3A_163 = arith.constant 16 : i32
            %parallel_loop3A_164 = arith.muli %parallel_loop3A_162, %parallel_loop3A_163 : i32
            %parallel_loop3A_165 = arith.index_cast %parallel_loop3A_164 : i32 to index
            %parallel_loop3A_166 = tpu.vector_load %arg6[%parallel_loop3A_165] {strides = array<i32>} : memref<6400xi32, #tpu.memory_space<vmem>>, vector<16xi32>,
            %parallel_loop3A_167 = arith.constant 3 : i32
            %parallel_loop3A_168 = arith.addi %parallel_loop3A_114, %parallel_loop3A_167 : i32
            %parallel_loop3A_169 = vector.broadcast %parallel_loop3A_168 : i32 to vector<16xi32>
            %parallel_loop3A_170 = arith.cmpi eq, %parallel_loop3A_166, %get3A_1 : vector<16xi32>
            %parallel_loop3A_171 = arith.cmpi sgt, %parallel_loop3A_169, %broadcast_in_dim3A_106 : vector<16xi32>
            %parallel_loop3A_172 = arith.andi %parallel_loop3A_170, %parallel_loop3A_171 : vector<16xi1>
            %parallel_loop3A_173 = arith.select %parallel_loop3A_172, %parallel_loop3A_169, %broadcast_in_dim3A_18 : vector<16xi1>, vector<16xi32>
            %parallel_loop3A_174 = arith.minsi %parallel_loop3A_118, %parallel_loop3A_173 : vector<16xi32>
            scf.yield %parallel_loop3A_132, %parallel_loop3A_146, %parallel_loop3A_160, %parallel_loop3A_174 : vector<16xi32>, vector<16xi32>, vector<16xi32>, vector<16xi32>
          } {sc.loop_unroll_factor = 2 : i64, sc.parallel_access}
          %min3A_111 = arith.minsi %parallel_loop3A_110#0, %parallel_loop3A_110#1 : vector<16xi32>
          %min3A_112 = arith.minsi %parallel_loop3A_110#2, %parallel_loop3A_110#3 : vector<16xi32>
          %min3A_113 = arith.minsi %min3A_111, %min3A_112 : vector<16xi32>
          %while3A = scf.while (%while3A_114 = %min3A_113) : (vector<16xi32>) -> vector<16xi32> {
            %ne3A = arith.cmpi ne, %while3A_114, %broadcast_in_dim3A_18 : vector<16xi32>
            %all_reduce_population_count3A_115 = tpu.all_reduce %ne3A {dim = 0 : i64, kind = #tpu.reduction_kind<sum>} : vector<16xi1> -> vector<16xi32>
            %slice3A_116 = vector.extract_strided_slice %all_reduce_population_count3A_115 {offsets = [0], sizes = [1], strides = [1]} : vector<16xi32> to vector<1xi32>
            %squeeze3A_117 = vector.extract %slice3A_116[0] : i32 from vector<1xi32>
            %gt3A_118 = arith.constant 0 : i32
            %gt3A_119 = arith.cmpi sgt, %squeeze3A_117, %gt3A_118 : i32
            scf.condition(%gt3A_119) %while3A_114 : vector<16xi32>
          } do {
          ^bb0(%while3A_114: vector<16xi32>):
            %ne3A = arith.cmpi ne, %while3A_114, %broadcast_in_dim3A_18 : vector<16xi32>
            %jit3A = arith.constant 0 : i32
            %broadcast_in_dim3A_115 = vector.broadcast %jit3A : i32 to vector<16xi32>
            %select_n3A = arith.select %ne3A, %while3A_114, %broadcast_in_dim3A_115 : vector<16xi1>, vector<16xi32>
            %mul3A_116 = arith.constant 16 : i32
            %mul3A_117 = vector.broadcast %mul3A_116 : i32 to vector<16xi32>
            %mul3A_118 = arith.muli %select_n3A, %mul3A_117 : vector<16xi32>
            %add3A_119 = arith.addi %mul3A_118, %iota3A : vector<16xi32>
            %gather3A = tpu.vector_load_idx %arg7[%add3A_119] : memref<6400xi32, #tpu.memory_space<vmem>>[vector<16xi32>], vector<16xi32>,
            %ne3A_120 = arith.cmpi ne, %gather3A, %get3A_1 : vector<16xi32>
            %and3A = arith.andi %ne3A, %ne3A_120 : vector<16xi1>
            %add3A_121 = vector.broadcast %mul3A_14 : i32 to vector<16xi32>
            %add3A_122 = arith.addi %gather3A, %add3A_121 : vector<16xi32>
            %add3A_123 = arith.constant 100000 : i32
            %add3A_124 = arith.addi %mul3A_14, %add3A_123 : i32
            %add3A_125 = vector.broadcast %add3A_124 : i32 to vector<16xi32>
            %add3A_126 = arith.addi %add3A_125, %iota3A : vector<16xi32>
            %select_n3A_127 = arith.select %and3A, %add3A_122, %add3A_126 : vector<16xi1>, vector<16xi32>
            %dma_start3A_128 = arith.constant 0 : i32
            %dma_start3A_129 = tpu.memref_slice %arg4[%dma_start3A_128] : memref<200704xf32, #tpu.memory_space<hbm>> -> memref<200704xf32, #tpu.memory_space<hbm>>
            tpu.enqueue_indirect_dma source(%arg9 : memref<16xf32, #tpu.memory_space<vmem>>) target(%dma_start3A_129 : memref<200704xf32, #tpu.memory_space<hbm>>) offsets(%select_n3A_127 : vector<16xi32>) semaphore(%arg13 : memref<!tpu.dma_semaphore, #tpu.memory_space<semaphore_mem>>)
            %dma_wait3A_130 = arith.constant 0 : i32
            %dma_wait3A_131 = tpu.memref_slice %arg4[%dma_wait3A_130] : memref<200704xf32, #tpu.memory_space<hbm>> -> memref<200704xf32, #tpu.memory_space<hbm>>
            tpu.wait_indirect_dma semaphore(%arg13 : memref<!tpu.dma_semaphore, #tpu.memory_space<semaphore_mem>>) src(%arg9 : memref<16xf32, #tpu.memory_space<vmem>>) dst(%dma_wait3A_131 : memref<200704xf32, #tpu.memory_space<hbm>>)
            %parallel_loop3A_132 = arith.constant 0 : i32
            %parallel_loop3A_133 = arith.constant 400 : i32
            %parallel_loop3A_134 = arith.constant 4 : i32
            %parallel_loop3A_135:4 = scf.for %parallel_loop3A_139 = %parallel_loop3A_132 to %parallel_loop3A_133 step %parallel_loop3A_134 iter_args(%parallel_loop3A_140 = %broadcast_in_dim3A_18, %parallel_loop3A_141 = %broadcast_in_dim3A_18, %parallel_loop3A_142 = %broadcast_in_dim3A_18, %parallel_loop3A_143 = %broadcast_in_dim3A_18) -> (vector<16xi32>, vector<16xi32>, vector<16xi32>, vector<16xi32>)  : i32 {
              %parallel_loop3A_144 = arith.constant 0 : i32
              %parallel_loop3A_145 = arith.addi %parallel_loop3A_139, %parallel_loop3A_144 : i32
              %parallel_loop3A_146 = arith.constant 16 : i32
              %parallel_loop3A_147 = arith.muli %parallel_loop3A_145, %parallel_loop3A_146 : i32
              %parallel_loop3A_148 = arith.index_cast %parallel_loop3A_147 : i32 to index
              %parallel_loop3A_149 = tpu.vector_load %arg6[%parallel_loop3A_148] {strides = array<i32>} : memref<6400xi32, #tpu.memory_space<vmem>>, vector<16xi32>,
              %parallel_loop3A_150 = arith.constant 0 : i32
              %parallel_loop3A_151 = arith.addi %parallel_loop3A_139, %parallel_loop3A_150 : i32
              %parallel_loop3A_152 = vector.broadcast %parallel_loop3A_151 : i32 to vector<16xi32>
              %parallel_loop3A_153 = arith.cmpi eq, %parallel_loop3A_149, %get3A_1 : vector<16xi32>
              %parallel_loop3A_154 = arith.cmpi sgt, %parallel_loop3A_152, %while3A_114 : vector<16xi32>
              %parallel_loop3A_155 = arith.andi %parallel_loop3A_153, %parallel_loop3A_154 : vector<16xi1>
              %parallel_loop3A_156 = arith.select %parallel_loop3A_155, %parallel_loop3A_152, %broadcast_in_dim3A_18 : vector<16xi1>, vector<16xi32>
              %parallel_loop3A_157 = arith.minsi %parallel_loop3A_140, %parallel_loop3A_156 : vector<16xi32>
              %parallel_loop3A_158 = arith.constant 1 : i32
              %parallel_loop3A_159 = arith.addi %parallel_loop3A_139, %parallel_loop3A_158 : i32
              %parallel_loop3A_160 = arith.constant 16 : i32
              %parallel_loop3A_161 = arith.muli %parallel_loop3A_159, %parallel_loop3A_160 : i32
              %parallel_loop3A_162 = arith.index_cast %parallel_loop3A_161 : i32 to index
              %parallel_loop3A_163 = tpu.vector_load %arg6[%parallel_loop3A_162] {strides = array<i32>} : memref<6400xi32, #tpu.memory_space<vmem>>, vector<16xi32>,
              %parallel_loop3A_164 = arith.constant 1 : i32
              %parallel_loop3A_165 = arith.addi %parallel_loop3A_139, %parallel_loop3A_164 : i32
              %parallel_loop3A_166 = vector.broadcast %parallel_loop3A_165 : i32 to vector<16xi32>
              %parallel_loop3A_167 = arith.cmpi eq, %parallel_loop3A_163, %get3A_1 : vector<16xi32>
              %parallel_loop3A_168 = arith.cmpi sgt, %parallel_loop3A_166, %while3A_114 : vector<16xi32>
              %parallel_loop3A_169 = arith.andi %parallel_loop3A_167, %parallel_loop3A_168 : vector<16xi1>
              %parallel_loop3A_170 = arith.select %parallel_loop3A_169, %parallel_loop3A_166, %broadcast_in_dim3A_18 : vector<16xi1>, vector<16xi32>
              %parallel_loop3A_171 = arith.minsi %parallel_loop3A_141, %parallel_loop3A_170 : vector<16xi32>
              %parallel_loop3A_172 = arith.constant 2 : i32
              %parallel_loop3A_173 = arith.addi %parallel_loop3A_139, %parallel_loop3A_172 : i32
              %parallel_loop3A_174 = arith.constant 16 : i32
              %parallel_loop3A_175 = arith.muli %parallel_loop3A_173, %parallel_loop3A_174 : i32
              %parallel_loop3A_176 = arith.index_cast %parallel_loop3A_175 : i32 to index
              %parallel_loop3A_177 = tpu.vector_load %arg6[%parallel_loop3A_176] {strides = array<i32>} : memref<6400xi32, #tpu.memory_space<vmem>>, vector<16xi32>,
              %parallel_loop3A_178 = arith.constant 2 : i32
              %parallel_loop3A_179 = arith.addi %parallel_loop3A_139, %parallel_loop3A_178 : i32
              %parallel_loop3A_180 = vector.broadcast %parallel_loop3A_179 : i32 to vector<16xi32>
              %parallel_loop3A_181 = arith.cmpi eq, %parallel_loop3A_177, %get3A_1 : vector<16xi32>
              %parallel_loop3A_182 = arith.cmpi sgt, %parallel_loop3A_180, %while3A_114 : vector<16xi32>
              %parallel_loop3A_183 = arith.andi %parallel_loop3A_181, %parallel_loop3A_182 : vector<16xi1>
              %parallel_loop3A_184 = arith.select %parallel_loop3A_183, %parallel_loop3A_180, %broadcast_in_dim3A_18 : vector<16xi1>, vector<16xi32>
              %parallel_loop3A_185 = arith.minsi %parallel_loop3A_142, %parallel_loop3A_184 : vector<16xi32>
              %parallel_loop3A_186 = arith.constant 3 : i32
              %parallel_loop3A_187 = arith.addi %parallel_loop3A_139, %parallel_loop3A_186 : i32
              %parallel_loop3A_188 = arith.constant 16 : i32
              %parallel_loop3A_189 = arith.muli %parallel_loop3A_187, %parallel_loop3A_188 : i32
              %parallel_loop3A_190 = arith.index_cast %parallel_loop3A_189 : i32 to index
              %parallel_loop3A_191 = tpu.vector_load %arg6[%parallel_loop3A_190] {strides = array<i32>} : memref<6400xi32, #tpu.memory_space<vmem>>, vector<16xi32>,
              %parallel_loop3A_192 = arith.constant 3 : i32
              %parallel_loop3A_193 = arith.addi %parallel_loop3A_139, %parallel_loop3A_192 : i32
              %parallel_loop3A_194 = vector.broadcast %parallel_loop3A_193 : i32 to vector<16xi32>
              %parallel_loop3A_195 = arith.cmpi eq, %parallel_loop3A_191, %get3A_1 : vector<16xi32>
              %parallel_loop3A_196 = arith.cmpi sgt, %parallel_loop3A_194, %while3A_114 : vector<16xi32>
              %parallel_loop3A_197 = arith.andi %parallel_loop3A_195, %parallel_loop3A_196 : vector<16xi1>
              %parallel_loop3A_198 = arith.select %parallel_loop3A_197, %parallel_loop3A_194, %broadcast_in_dim3A_18 : vector<16xi1>, vector<16xi32>
              %parallel_loop3A_199 = arith.minsi %parallel_loop3A_143, %parallel_loop3A_198 : vector<16xi32>
              scf.yield %parallel_loop3A_157, %parallel_loop3A_171, %parallel_loop3A_185, %parallel_loop3A_199 : vector<16xi32>, vector<16xi32>, vector<16xi32>, vector<16xi32>
            } {sc.loop_unroll_factor = 2 : i64, sc.parallel_access}
            %min3A_136 = arith.minsi %parallel_loop3A_135#0, %parallel_loop3A_135#1 : vector<16xi32>
            %min3A_137 = arith.minsi %parallel_loop3A_135#2, %parallel_loop3A_135#3 : vector<16xi32>
            %min3A_138 = arith.minsi %min3A_136, %min3A_137 : vector<16xi32>
            scf.yield %min3A_138 : vector<16xi32>
          }
        } else {
        }
      } else {
      }
    }
    %scan3A_29 = arith.constant 16 : i32
    return
  }
}

module attributes {stable_mosaic.version = 14 : i64} {
  func.func @_merge_body(%arg0: memref<1xi32, #tpu.memory_space<smem>>, %arg1: memref<2x784x128xf32, #tpu.memory_space<vmem>>, %arg2: memref<784x128xf32, #tpu.memory_space<vmem>>) attributes {dimension_semantics = [], scalar_prefetch = 0 : i64, scratch_operands = 0 : i64, tpu.core_type = #tpu.core_type<tc>} {
    %get3A = arith.constant 0 : index
    %get3A_0 = arith.constant 0 : index
    %get3A_1 = arith.constant 0 : index
    %get3A_2 = vector.load %arg1[%get3A, %get3A_0, %get3A_1] : memref<2x784x128xf32, #tpu.memory_space<vmem>>, vector<1x784x128xf32>
    %get3A_3 = vector.shape_cast %get3A_2 : vector<1x784x128xf32> to vector<784x128xf32>
    %get3A_4 = arith.constant 1 : index
    %get3A_5 = arith.constant 0 : index
    %get3A_6 = arith.constant 0 : index
    %get3A_7 = vector.load %arg1[%get3A_4, %get3A_5, %get3A_6] : memref<2x784x128xf32, #tpu.memory_space<vmem>>, vector<1x784x128xf32>
    %get3A_8 = vector.shape_cast %get3A_7 : vector<1x784x128xf32> to vector<784x128xf32>
    %max3A = arith.maximumf %get3A_3, %get3A_8 : vector<784x128xf32>
    %get3A_9 = arith.constant 0 : index
    %get3A_10 = memref.load %arg0[%get3A_9] : memref<1xi32, #tpu.memory_space<smem>>
    %eq3A = arith.constant -1 : i32
    %eq3A_11 = arith.cmpi eq, %get3A_10, %eq3A : i32
    %jit3A = arith.constant 0.000000e+00 : f32
    %broadcast_in_dim3A = vector.broadcast %jit3A : f32 to vector<784x128xf32>
    %select_n3A = arith.select %eq3A_11, %broadcast_in_dim3A, %max3A : vector<784x128xf32>
    %swap3A = arith.constant 0 : index
    %swap3A_12 = arith.constant 0 : index
    %swap3A_13 = vector.load %arg2[%swap3A, %swap3A_12] : memref<784x128xf32, #tpu.memory_space<vmem>>, vector<784x128xf32>
    tpu.vector_store %arg2[%swap3A, %swap3A_12], %select_n3A {strides = array<i32>} : memref<784x128xf32, #tpu.memory_space<vmem>>, vector<784x128xf32>,
    return
  }
}

</mosaic_0001>

<sc_bundles>
// kernel: kernel.4.cloned.1.call-start
scs
__scs_entry_jumppad:
0x0: {  	(pc) =	sbr.rel $0x88, $3  }
0x1: {  	(tag) =	ssettag $0x0;
	lr =	simm.s32 $0x1  }
0x2: {  	[smem:$0x3F9F] =	sst lr;
	_ =	strace $0xD0000000  }
0x3: {  	_ = 	snop  }
0x4: {  	_ = 	snop  }
0x5: {  	_ = 	snop  }
0x6: {  	_ = 	snop  }
0x7: {  	_ = 	snop  }
__scs_overlays_trampoline_lowered:
0x8: {  	[smem:$0x3FAE] =	sst s0  }
0x9: {  	[smem:$0x3FAF] =	sst s1  }
0xa: {  	[smem:$0x3FB0] =	sst s2  }
0xb: {  	[smem:$0x3FB1] =	sst s3  }
0xc: {  	[smem:$0x3FB2] =	sst s4  }
0xd: {  	[smem:$0x3FB3] =	sst s5  }
0xe: {  	[smem:$0x3FB4] =	sst s6  }
0xf: {  	[smem:$0x3FB5] =	sst s7  }
0x10: {  	[smem:$0x3FB6] =	sst s8  }
0x11: {  	[smem:$0x3FB7] =	sst s9;
	s0 =	simm.s32 @!p0 $0x0  }
0x12: {  	s1 =	sld [smem:$0x3F9D];
	s0 =	simm.s32 @p0 $0x1  }
0x13: {  	[smem:$0x3FB8] =	sst s0;
	s0 =	simm.s32 @!p1 $0x0  }
0x14: {  	s2 =	sld [smem:$0x3F9C];
	s0 =	simm.s32 @p1 $0x1  }
0x15: {  	[smem:$0x3FB9] =	sst s0;
	s0 =	simm.s32 @!p2 $0x0  }
0x16: {  	s3 =	sld [smem:$0x3FDB];
	s0 =	simm.s32 @p2 $0x1  }
0x17: {  	s4 =	simm.s32 $0x1BF5;
	[smem:$0x3FBB] =	sst s0  }
0x18: {  	s0 =	sld [smem:$0x3F9E];
	_ =	swait.ge [sflag:s4], $0x0  }
0x19: {  	s7 =	sld [smem:$0x3F9F]  }
0x1a: {  	s8 =	sadd.s32 $0xFFFFE003, lr  }
0x1b: {  	s9 =	sadd.s32 $0xFFFFFEF7, lr;
	s5 =	simm.s32 $0xFFFFFFFF;
	p2 =	slt.u32 s8, $0xFFFFF086  }
0x1c: {  	p1 =	slt.u32 s9, $0xF7A;
	s5 =	simm.s32 @!p2 $0x0  }
0x1d: {  	s5 =	simm.s32 @p1 $0x1;
	p0 =	seq.s32 s7, s2  }
0x1e: {  	s7 =	smul.u32 @!p0 $0xF7A, s2;
	p2 =	seq.s32 @!p0 s5, $0x0  }
0x1f: {  	s9 =	smul.u32 $0xF7A, s1;
	s8 =	simm.s32 @!p0 $0x1BF5;
	p2 =	por !p2, p0  }
0x20: {  	[sflag:s8] =	ssyncset.s32 @!p0 $0xFFFFF086;
	s6 =	sadd.s32 @!p0 s3, s7;
	s7 =	simm.s32 @!p0 $0x108  }
0x21: {  	s3 =	sadd.s32 s3, s9;
	s6 =	sadd.s32 @!p0 $0x88, s6;
	s7 =	simm.s32 @p2 $0x1082  }
0x22: {  	[simem:s7], [sflag:s8] =	dma.local @!p0 [hbm:s6], $0xF7A  }
0x23: {  	s9 =	sor.u32 $0xD0000000, s2;
	s6 =	simm.s32 $0x108;
	_ =	swait.ge @!p0 [sflag:s8], $0x0  }
0x24: {  	s3 =	sadd.s32 $0x88, s3;
	s6 =	simm.s32 @!p1 $0x1082;
	[sflag:s4] =	ssyncset.s32 $0xFFFFF086  }
0x25: {  	[simem:s6], [sflag:s4] =	dma.local [hbm:s3], $0xF7A  }
0x26: {  	[smem:$0x3F9F] =	sst s1;
	(tag) =	ssettag s2;
	_ =	strace s9  }
0x27: {  	s1 =	sld [smem:$0x3FAF]  }
0x28: {  	s2 =	sld [smem:$0x3FB0]  }
0x29: {  	s4 =	sld [smem:$0x3FB2]  }
0x2a: {  	p0 =	seq.s32 s5, $0x0;
	s5 =	sld [smem:$0x3FB3]  }
0x2b: {  	s6 =	sld [smem:$0x3FB4]  }
0x2c: {  	s7 =	sld [smem:$0x3FB5]  }
0x2d: {  	s3 =	simm.s32 $0x108;
	s8 =	sld [smem:$0x3FB6]  }
0x2e: {  	s3 =	simm.s32 @!p0 $0x1082;
	s9 =	sld [smem:$0x3FB7]  }
0x2f: {  	lr =	sadd.s32 s0, s3;
	s0 =	sld [smem:$0x3FAE]  }
0x30: {  	s3 =	sld [smem:$0x3FB1]  }
0x31: {  	[smem:$0x3FBA] =	sst s10  }
0x32: {  	s10 =	sld [smem:$0x3FB8];
	_ =	sdelay $0x3  }
0x33: {  	p0 =	seq.s32 s10, $0x1;
	s10 =	sld [smem:$0x3FBA];
	_ =	sdelay $0x3  }
0x34: {  	[smem:$0x3FBA] =	sst s10  }
0x35: {  	s10 =	sld [smem:$0x3FB9];
	_ =	sdelay $0x3  }
0x36: {  	p1 =	seq.s32 s10, $0x1;
	s10 =	sld [smem:$0x3FBA];
	_ =	sdelay $0x3  }
0x37: {  	[smem:$0x3FBA] =	sst s10  }
0x38: {  	s10 =	sld [smem:$0x3FBB]  }
0x39: {  	_ = 	snop;
	(pc) =	sbr.ind lr, $3  }
0x3a: {  	_ = 	snop  }
0x3b: {  	_ = 	snop  }
0x3c: {  	p2 =	seq.s32 s10, $0x1;
	s10 =	sld [smem:$0x3FBA]  }
0x3d: {  	_ =	shalt  }
0x3e: {  	_ =	shalt  }
0x3f: {  	_ =	shalt  }
0x40: {  	_ =	shalt  }
0x41: {  	_ =	shalt  }
0x42: {  	_ =	shalt  }
0x43: {  	_ =	shalt  }
0x44: {  	_ =	shalt  }
0x45: {  	_ =	shalt  }
0x46: {  	_ =	shalt  }
0x47: {  	_ =	shalt  }
0x48: {  	_ =	shalt  }
0x49: {  	_ =	shalt  }
0x4a: {  	_ =	shalt  }
0x4b: {  	_ =	shalt  }
0x4c: {  	_ =	shalt  }
0x4d: {  	_ =	shalt  }
0x4e: {  	_ =	shalt  }
0x4f: {  	_ =	shalt  }
0x50: {  	_ =	shalt  }
0x51: {  	_ =	shalt  }
0x52: {  	_ =	shalt  }
0x53: {  	_ =	shalt  }
0x54: {  	_ =	shalt  }
0x55: {  	_ =	shalt  }
0x56: {  	_ =	shalt  }
0x57: {  	_ =	shalt  }
0x58: {  	_ =	shalt  }
0x59: {  	_ =	shalt  }
0x5a: {  	_ =	shalt  }
0x5b: {  	_ =	shalt  }
0x5c: {  	_ =	shalt  }
0x5d: {  	_ =	shalt  }
0x5e: {  	_ =	shalt  }
0x5f: {  	_ =	shalt  }
0x60: {  	_ =	shalt  }
0x61: {  	_ =	shalt  }
0x62: {  	_ =	shalt  }
0x63: {  	_ =	shalt  }
0x64: {  	_ =	shalt  }
0x65: {  	_ =	shalt  }
0x66: {  	_ =	shalt  }
0x67: {  	_ =	shalt  }
0x68: {  	_ =	shalt  }
0x69: {  	_ =	shalt  }
0x6a: {  	_ =	shalt  }
0x6b: {  	_ =	shalt  }
0x6c: {  	_ =	shalt  }
0x6d: {  	_ =	shalt  }
0x6e: {  	_ =	shalt  }
0x6f: {  	_ =	shalt  }
0x70: {  	_ =	shalt  }
0x71: {  	_ =	shalt  }
0x72: {  	_ =	shalt  }
0x73: {  	_ =	shalt  }
0x74: {  	_ =	shalt  }
0x75: {  	_ =	shalt  }
0x76: {  	_ =	shalt  }
0x77: {  	_ =	shalt  }
0x78: {  	_ =	shalt  }
0x79: {  	_ =	shalt  }
0x7a: {  	_ =	shalt  }
0x7b: {  	_ =	shalt  }
0x7c: {  	_ =	shalt  }
0x7d: {  	_ =	shalt  }
0x7e: {  	_ =	shalt  }
0x7f: {  	_ =	shalt  }
0x80: {  	_ =	shalt  }
0x81: {  	_ =	shalt  }
0x82: {  	_ =	shalt  }
0x83: {  	_ =	shalt  }
0x84: {  	_ =	shalt  }
0x85: {  	_ =	shalt  }
0x86: {  	_ =	shalt  }
0x87: {  	_ =	shalt  }
.Lfunc_end0:
.L_simem_size_0:
called_computation_lowered:
.L_overlay_start_0:
0x88: {  	s2 =	sld [smem:$0x3FD9]  }
0x89: {  	s3 =	sld [smem:$0x3FFE];
	_ =	sdelay $0x1  }
0x8a: {  	s1 =	srdreg.scid  }
0x8b: {  	s0 =	sand.u32 $0x1, s1  }
0x8c: {  	s17 =	sshll.u32 s0, $0xA;
	s2 =	sadd.s32 s3, s2  }
0x8d: {  	s2 =	sadd.s32 s2, s17  }
0x8e: {  	[smem:$0x3FC6] =	sst s2  }
0x8f: {  	_ = 	snop  }
0x90: {  	s2 =	sld [smem:$0x3FC9];
	(tm) =	ssettm $0x1  }
0x91: {  	s18 =	sld [smem:$0x3FFB];
	_ =	sdelay $0x3  }
0x92: {  	_ =	strace s18  }
0x93: {  	s3 =	sld [smem:$0x3FFC];
	_ =	sdelay $0x3  }
0x94: {  	_ =	strace s3  }
0x95: {  	s3 =	sld [smem:$0x3FFD];
	_ =	sdelay $0x3  }
0x96: {  	_ =	strace s3  }
0x97: {  	_ =	strace $0x8FFFFFFF  }
0x98: {  	s19 =	sld [smem:$0x3FDB];
	_ =	sdelay $0x1  }
0x99: {  	s4 =	simm.s32 $_scs_section_size  }
0x9a: {  	s5 =	simm.s32 $_size__tile_overlayer_lowered;
	s6 =	simm.s32 $_tile_overlayer_lowered  }
0x9b: {  	s22 =	simm.s32 $0x1BFF;
	s21 =	sshll.u32 s6, $0x1;
	s3 =	sadd.s32 s4, s19  }
0x9c: {  	s7 =	simm.s32 $0x0;
	s20 =	sshll.u32 s5, $0x1;
	s5 =	sadd.s32 s21, s3  }
0x9d: {  	[timem:s7], [sflag:s22] =	dma.local [hbm:s5], s20  }
0x9e: {  	_ =	swait.ge [sflag:s22], s20  }
0x9f: {  	s4 =	ssub.s32 $0x0, s20;
	[sflag:s22] =	ssyncset.done $0x0  }
0xa0: {  	[sflag:s22] =	ssyncadd.s32 s4;
	_ =	sdelay $0x1  }
0xa1: {  	s23 =	simm.s32 $0x1B8B  }
0xa2: {  	_ =	swait.ge [sflag:s23], $0x1  }
0xa3: {  	[sflag:s23] =	ssyncset.done $0x0  }
0xa4: {  	s25 =	simm.s32 $0x1B8E;
	s24 =	sld [smem:$0x3FFE];
	[sflag:s23] =	ssyncadd.s32 $0xFFFFFFFF  }
0xa5: {  	s26 =	simm.s32 $execute0_lowered;
	[smem:$0x3FD2] =	sst s25  }
0xa6: {  	s5 =	sshll.u32 s26, $0x1;
	_ =	strace $0x80000046;
	[dreg:$0x1] =	wrdreg $0xFFFFFFFF  }
0xa7: {  	s28 =	simm.s32 $_size_execute0_lowered;
	s3 =	sadd.s32 s3, s5;
	[dreg:$0x0] =	wrdreg $0x0  }
0xa8: {  	s5 =	sshll.u32 s28, $0x1;
	[dreg:$0x2] =	wrdreg s3  }
0xa9: {  	[dreg:$0x3] =	wrdreg s5  }
0xaa: {  	[dreg:$0x4] =	wrdreg $0xC0  }
0xab: {  	_ =	task [dreg:s7], $0x5FFFF  }
0xac: {  	[dreg:$0x1] =	wrdreg $0xFFFFFFFF  }
0xad: {  	[dreg:$0x0] =	wrdreg $0x60  }
0xae: {  	[dreg:$0x2] =	wrdreg s2  }
0xaf: {  	[dreg:$0x3] =	wrdreg s24  }
0xb0: {  	[dreg:$0x4] =	wrdreg $0x9  }
0xb1: {  	_ =	task.clear_ibuf [dreg:s7], $0x5FFFF;
	_ =	strace $0x90000046  }
0xb2: {  	s29 =	simm.s32 $0x9;
	_ =	strace $0x80000048  }
0xb3: {  	_ =	swait.ge [sflag:s29], $0x1  }
0xb4: {  	[sflag:s29] =	ssyncadd.s32 $0xFFFFFFFF  }
0xb5: {  	_ =	strace $0x90000048  }
0xb6: {  	_ =	sfence  }
0xb7: {  	s30 =	sld [smem:$0x0];
	_ =	sdelay $0x2  }
0xb8: {  	s31 =	sshll.u32 s1, $0xD;
	s1 =	sshrl.u32 s1, $0x2  }
0xb9: {  	s3 =	sand.u32 $0x4000, s31;
	s1 =	sadd.s32 s1, s30  }
0xba: {  	s0 =	sor.u32 s3, s0;
	s1 =	sshll.u32 s1, $0x11  }
0xbb: {  	s0 =	sor.u32 s1, s0  }
0xbc: {  	s0 =	sadd.s32 $0x8F2B, s0  }
0xbd: {  	[sflag:s0] =	ssyncadd.remote.s32 $0x1  }
0xbe: {  	_ =	sfence.sel $0xFFFF  }
0xbf: {  	[dreg:$0x0] =	wrdreg $0xFFFFFFFF;
	(pc) =	sbr.abs _section_cstart, $3  }
0xc0: {  	[dreg:$0x1] =	wrdreg $0xFFFFFFFF  }
0xc1: {  	_ =	task.clear_ibuf [dreg:s7], $0x2FFFF;
	_ =	strace $0x9FFFFFFF  }
0xc2: {  	(tm) =	ssettm $0x7FFFFFFF  }
0xc3: {  	_ =	shalt  }
tec
execute0_lowered:
.L_overlay_start_1:
0x0: {  	(tag) =	ssettag $0x1  }
0x1: {  	s1 =	rddreg [dreg:$0x0]  }
0x2: {  	s5 =	rddreg [dreg:$0x1];
	s2 =	simm.s32 $0x0;
	s3 =	srdreg.scid  }
0x3: {  	s12 =	simm.s32 $0x4;
	s13 =	simm.s32 $0x4B00;
	s14 =	simm.s32 $0x80  }
0x4: {  	s15 =	simm.s32 $0x100;
	s17 =	simm.s32 $0x3200;
	s18 =	simm.s32 $0x6380  }
0x5: {  	s20 =	simm.s32 $0x2;
	s21 =	simm.s32 $0x0;
	[smem:$0x7FF] =	sst s2  }
0x6: {  	s6 =	sand.u32 $0x1, s3;
	s3 =	stileid.u32;
	s4 =	sadd.s32 $0x600, s5  }
0x7: {  	s5 =	sadd.s32 $0x800, s5;
	_ =	strace $0x80000047;
	s16 =	smul.u32 $0x18800, s6  }
0x8: {  	s7 =	sshll.u32 s3, $0x1;
	s8 =	smul.u32 $0x1880, s3;
	s9 =	ssub.s32 $0x2, s6  }
.Ltmp0:
0x9: {  	s6 =	sor.u32 s6, s7;
	s31 =	sshrl.u32 s9, $0x1;
	(pc) =	sbr.rel .LBB2_1-.Ltmp0, $4  }
0xa: {  	s7 =	sadd.s32 $0x10, s1;
	s8 =	sadd.s32 s8, s16;
	s10 =	smul.u32 $0x640, s6  }
0xb: {  	v1 =	vlaneseq.u32;
	s11 =	ssub.s32 s9, s31;
	s19 =	sadd.s32 $0x186A0, s16;
	s8 =	sshrl.u32 s8, $0x3  }
0xc: {  	v0 =	vmov s16;
	s16 =	simm.s32 $0x1;
	v2 =	vor.u32 s19, v1;
	s19 =	simm.s32 $0x3;
	s8 =	sadd.s32 s5, s8  }
0xd: {  	v3 =	vimm.f32 $0.0e+00;
	v4 =	vimm.f32 $-Inf;
	s9 =	sadd.s32 s10, s7;
	s10 =	smax.u32 s11, $0x1;
	s11 =	simm.s32 $0x6400  }
.LBB2_30:
0xe: {  	s21 =	sadd.s32 $0x1, s21  }
0xf: {  	p0 =	sne.s32 s21, s10  }
.Ltmp1:
0x10: {  	_ = 	snop;
	(pc) =	sbr.rel @!p0 .LBB2_31-.Ltmp1, $1  }
0x11: {  	_ =	sdelay $0x3  }
.LBB2_1:
0x12: {  	[tilespmem:s11], [sflag:$0x4] =	stream.linear.gather [hbm4b:s4+s2], $0x80, $0x38;
	[tilespmem:$0x6480] =	vst v63  }
0x13: {  	_ =	swait.ge [sflag:s12], $0x80  }
0x14: {  	[sflag:s12] =	ssyncset.done $0x0  }
0x15: {  	[sflag:s12] =	ssyncadd.s32 $0xFFFFFF80  }
0x16: {  	v5 =	vld [tilespmem:$0x6400]  }
0x17: {  	s22 =	simm.s32 $0x4B20;
	[tilespmem:$0x6380] =	vst v3  }
0x18: {  	[tilespmem:s22+$0xFFFFFFE0] =	vst v4  }
0x19: {  	[tilespmem:s22+$0x10] =	vst v4  }
0x1a: {  	s23 =	simm.s32 $0x0;
	[tilespmem:s22+$0x0] =	vst v4  }
.LBB2_2:
0x1b: {  	s23 =	sadd.s32 $0x4, s23  }
0x1c: {  	[tilespmem:s22+$0xFFFFFFF0] =	vst v4;
	s22 =	sadd.s32 $0x40, s22;
	p0 =	slt.u32 s23, $0x184  }
.Ltmp2:
0x1d: {  	[tilespmem:s22+$0xFFFFFFE0] =	vst v4;
	(pc) =	sbr.rel @p0 .LBB2_2-.Ltmp2, $3  }
0x1e: {  	_ =	sdelay $0x1  }
0x1f: {  	[tilespmem:s22+$0x10] =	vst v4  }
0x20: {  	[tilespmem:s22+$0x0] =	vst v4  }
0x21: {  	[tilespmem:s22+$0xFFFFFFF0] =	vst v4;
	s22 =	simm.s32 $0x0  }
0x22: {  	[hbm4b:s8+s22] =	stream.linear.scatter [tilespmem:s13], [sflag:$0x4], $0x1880, $0x38;
	[tilespmem:$0x6480] =	vst v63  }
.Ltmp3:
0x23: {  	_ =	swait.ge [sflag:s12], $0x1880;
	(pc) =	sbr.rel .LBB2_4-.Ltmp3, $4  }
0x24: {  	[sflag:s12] =	ssyncset.done $0x0  }
0x25: {  	[sflag:s12] =	ssyncadd.s32 $0xFFFFE780  }
0x26: {  	[bflag:$0x0] =	sbarrier.arrive $0xFFFF  }
0x27: {  	[tilespmem:s22], [sflag:$0x1] =	stream.strided.gather [hbm4b:s9+s14], $0x1900, s15, s14, $0x38;
	[tilespmem:$0x6480] =	vst v63  }
.LBB2_29:
0x28: {  	s22 =	sadd.s32 $0x1, s22  }
0x29: {  	p0 =	sne.s32 s22, $0x10  }
.Ltmp4:
0x2a: {  	_ = 	snop;
	(pc) =	sbr.rel @!p0 .LBB2_30-.Ltmp4, $1  }
0x2b: {  	_ =	sdelay $0x3  }
.LBB2_4:
0x2c: {  	s23 =	sshll.u32 s22, $0x6  }
0x2d: {  	s24 =	sor.u32 s6, s23  }
0x2e: {  	s23 =	sor.u32 $0x20, s24  }
0x2f: {  	p0 =	sgt.u32 s23, $0x3E7  }
0x30: {  	s25 =	smul.u32 @!p0 $0x640, s23  }
0x31: {  	s26 =	simm.s32 @!p0 $0x80  }
0x32: {  	s28 =	simm.s32 @!p0 $0x100;
	s29 =	simm.s32 @!p0 $0x1900;
	s25 =	sadd.s32 @!p0 s25, s7  }
0x33: {  	[tilespmem:s29], [sflag:$0x2] =	stream.strided.gather @!p0 [hbm4b:s25+s26], $0x1900, s28, s26, $0x38;
	[tilespmem:$0x6480] =	vst v63  }
0x34: {  	_ =	swait.ge [sflag:s16], $0x1900  }
0x35: {  	[sflag:s16] =	ssyncset.done $0x0  }
0x36: {  	s25 =	simm.s32 $0x100;
	[sflag:s16] =	ssyncadd.s32 $0xFFFFE700  }
0x37: {  	v6 =	vld [tilespmem:s25+$0x70]  }
0x38: {  	v8 =	vld [tilespmem:s25+$0x80]  }
0x39: {  	v9 =	vld [tilespmem:s25+$0x0]  }
0x3a: {  	v10 =	vld [tilespmem:s25+$0xFFFFFFF0]  }
0x3b: {  	v11 =	vld [tilespmem:s25+$0xFFFFFF80]  }
0x3c: {  	v12 =	vld [tilespmem:s25+$0xFFFFFF00]  }
0x3d: {  	v13 =	vld [tilespmem:s25+$0xFFFFFFD0]  }
0x3e: {  	v14 =	vld [tilespmem:s25+$0xFFFFFFE0]  }
0x3f: {  	v15 =	vld [tilespmem:s25+$0xFFFFFF70]  }
0x40: {  	v16 =	vld [tilespmem:s25+$0xFFFFFF60]  }
0x41: {  	v20 =	vld [tilespmem:s25+$0xFFFFFF30]  }
0x42: {  	v21 =	vld [tilespmem:s25+$0xFFFFFF10]  }
0x43: {  	v7 =	vimm.s32 $0x7FFFFFFF;
	v23 =	vld [tilespmem:s25+$0xFFFFFF90];
	v12 =	vxor.u32 v5, v12  }
0x44: {  	v26 =	vld [tilespmem:s25+$0x10];
	v18 =	vxor.u32 v5, v6;
	v6 =	vxor.u32 v5, v8;
	v10 =	vxor.u32 v5, v10  }
0x45: {  	v19 =	vxor.u32 v5, v9;
	v11 =	vxor.u32 v5, v11;
	v8 =	vxor.u32 v5, v14  }
0x46: {  	v17 =	vld [tilespmem:s25+$0xFFFFFF50];
	v14 =	vxor.u32 v5, v15;
	v9 =	vxor.u32 v5, v13;
	v13 =	vxor.u32 v5, v16  }
0x47: {  	v15 =	vxor.u32 v5, v20;
	v20 =	vxor.u32 v5, v21;
	vm0 =	vlt.s32 v7, v12  }
0x48: {  	v23 =	vxor.u32 v5, v23;
	vm1 =	vlt.s32 v7, v14;
	v12 =	vsel vm0, v7, v12  }
0x49: {  	v27 =	vld [tilespmem:s25+$0xE0];
	v26 =	vxor.u32 v5, v26;
	v14 =	vsel vm1, v7, v14;
	vm0 =	vlt.s32 v12, v11  }
0x4a: {  	v22 =	vld [tilespmem:s25+$0xFFFFFF20];
	vm1 =	vlt.s32 v14, v10;
	v11 =	vsel vm0, v12, v11;
	vm0 =	vlt.s32 v7, v13  }
0x4b: {  	v25 =	vld [tilespmem:s25+$0xFFFFFF40];
	v12 =	vxor.u32 v5, v17;
	v13 =	vsel vm0, v7, v13;
	vm0 =	vlt.s32 v11, v19  }
0x4c: {  	v17 =	vld [tilespmem:s25+$0xFFFFFFA0];
	v10 =	vsel vm1, v14, v10;
	vm2 =	vlt.s32 v7, v12;
	v11 =	vsel vm0, v11, v19  }
0x4d: {  	v24 =	vld [tilespmem:s25+$0xB0];
	vm0 =	vlt.s32 v7, v15;
	v16 =	vsel vm2, v7, v12;
	vm2 =	vlt.s32 v10, v18  }
0x4e: {  	v14 =	vld [tilespmem:s25+$0x20];
	vm1 =	vlt.s32 v11, v6;
	v12 =	vsel vm2, v10, v18;
	v10 =	vxor.u32 v5, v27  }
0x4f: {  	v19 =	vld [tilespmem:s25+$0xF0];
	v6 =	vsel vm1, v11, v6;
	vm1 =	vlt.s32 v7, v20;
	v11 =	vxor.u32 v5, v22  }
0x50: {  	v27 =	vxor.u32 v5, v25;
	v25 =	vld [tilespmem:s25+$0x40];
	v20 =	vsel vm1, v7, v20;
	vm1 =	vlt.s32 v7, v11  }
0x51: {  	vm4 =	vlt.s32 v13, v8;
	v22 =	vld [tilespmem:s25+$0xFFFFFFC0];
	v21 =	vxor.u32 v5, v17;
	v28 =	vsel vm1, v7, v11  }
0x52: {  	vm2 =	vlt.s32 v16, v9;
	v17 =	vld [tilespmem:s25+$0xA0];
	vm1 =	vlt.s32 v20, v23;
	vm3 =	vlt.s32 v28, v21  }
0x53: {  	v20 =	vsel vm1, v20, v23;
	v23 =	vld [tilespmem:s25+$0xFFFFFFB0];
	v18 =	vsel vm3, v28, v21;
	v21 =	vxor.u32 v5, v14  }
0x54: {  	s30 =	simm.s32 $0x100;
	s29 =	simm.s32 $0x0;
	s26 =	simm.s32 $0x1870;
	v11 =	vxor.u32 v5, v19;
	v19 =	vld [tilespmem:s25+$0x50];
	v14 =	vimm.s32 $0x7FFFFFFF;
	vm1 =	vlt.s32 v18, v21  }
.LBB2_5:
0x55: {  	s29 =	sadd.s32 $0x20, s29;
	vm5 =	vlt.s32 v7, v27;
	v28 =	vld [tilespmem:s25+$0x30];
	v24 =	vxor.u32 v5, v24;
	vm3 =	vlt.s32 v12, v11;
	s30 =	sadd.s32 $0x200, s30;
	s28 =	simm.s32 $0x178  }
0x56: {  	v22 =	vxor.u32 v5, v22;
	v8 =	vsel vm4, v13, v8;
	p1 =	slt.u32 s29, $0x160;
	v7 =	vsel vm5, v7, v27;
	v13 =	vld [tilespmem:s25+$0xD0]  }
0x57: {  	v14 =	vsel vm0, v14, v15;
	v9 =	vsel vm2, v16, v9;
	vm0 =	vlt.s32 v20, v26;
	v15 =	vld [tilespmem:s25+$0x60]  }
0x58: {  	v20 =	vsel vm0, v20, v26;
	v16 =	vxor.u32 v5, v23;
	vm2 =	vlt.s32 v7, v22;
	v23 =	vld [tilespmem:s25+$0x90]  }
0x59: {  	v18 =	vsel vm1, v18, v21;
	vm0 =	vlt.s32 v14, v16;
	v7 =	vsel vm2, v7, v22;
	v21 =	vld [tilespmem:s25+$0xC0];
	s25 =	smov.u32 s30  }
0x5a: {  	v17 =	vxor.u32 v5, v17;
	v19 =	vxor.u32 v5, v19;
	v25 =	vxor.u32 v5, v25;
	v22 =	vld [tilespmem:s30+$0x70]  }
0x5b: {  	v14 =	vsel vm0, v14, v16;
	vm0 =	vlt.s32 v9, v19;
	v16 =	vxor.u32 v5, v28;
	v26 =	vld [tilespmem:s30+$0x80]  }
0x5c: {  	vm2 =	vlt.s32 v7, v25;
	vm1 =	vlt.s32 v14, v16;
	v13 =	vxor.u32 v5, v13;
	v27 =	vld [tilespmem:s30+$0x0]  }
0x5d: {  	v9 =	vsel vm0, v9, v19;
	v14 =	vsel vm1, v14, v16;
	v15 =	vxor.u32 v5, v15;
	v28 =	vld [tilespmem:s30+$0xFFFFFFF0]  }
0x5e: {  	v11 =	vsel vm3, v12, v11;
	v19 =	vxor.u32 v5, v23;
	v16 =	vld [tilespmem:s30+$0xFFFFFF80];
	v21 =	vxor.u32 v5, v21  }
0x5f: {  	v7 =	vsel vm2, v7, v25;
	vm1 =	vlt.s32 v14, v24;
	vm0 =	vlt.s32 v20, v19;
	v12 =	vld [tilespmem:s30+$0xFFFFFF00]  }
0x60: {  	vm3 =	vlt.s32 v18, v17;
	vm2 =	vlt.s32 v8, v15;
	vm4 =	vlt.s32 v7, v21;
	v23 =	vld [tilespmem:s30+$0xFFFFFFD0]  }
0x61: {  	v17 =	vsel vm3, v18, v17;
	v8 =	vsel vm2, v8, v15;
	v7 =	vsel vm4, v7, v21;
	v25 =	vld [tilespmem:s30+$0xFFFFFFE0]  }
0x62: {  	v14 =	vsel vm1, v14, v24;
	vm1 =	vlt.s32 v9, v13;
	vm2 =	vlt.s32 v8, v10;
	v15 =	vld [tilespmem:s30+$0xFFFFFF70]  }
0x63: {  	v19 =	vsel vm0, v20, v19;
	v20 =	vsel vm1, v9, v13;
	v10 =	vsel vm2, v8, v10;
	v18 =	vld [tilespmem:s30+$0xFFFFFF60]  }
0x64: {  	v21 =	vxor.u32 v5, v22;
	v22 =	vxor.u32 v5, v26;
	v8 =	vxor.u32 v5, v12;
	v12 =	vld [tilespmem:s30+$0xFFFFFF50]  }
0x65: {  	v27 =	vxor.u32 v5, v27;
	v24 =	vxor.u32 v5, v28;
	vm0 =	vlt.s32 v6, v8;
	v26 =	vld [tilespmem:s30+$0xFFFFFF40]  }
0x66: {  	v13 =	vxor.u32 v5, v16;
	v6 =	vsel vm0, v6, v8;
	v28 =	vld [tilespmem:s30+$0xFFFFFF30];
	v8 =	vxor.u32 v5, v25  }
0x67: {  	v9 =	vxor.u32 v5, v23;
	v25 =	vld [tilespmem:s30+$0xFFFFFF20];
	v15 =	vxor.u32 v5, v15;
	vm0 =	vlt.s32 v6, v13  }
0x68: {  	v16 =	vld [tilespmem:s30+$0xFFFFFF10];
	v18 =	vxor.u32 v5, v18;
	vm1 =	vlt.s32 v11, v15;
	v6 =	vsel vm0, v6, v13  }
0x69: {  	v12 =	vxor.u32 v5, v12;
	vm0 =	vlt.s32 v10, v18;
	v11 =	vsel vm1, v11, v15;
	v23 =	vld [tilespmem:s30+$0xFFFFFFA0]  }
0x6a: {  	v13 =	vsel vm0, v10, v18;
	v10 =	vld [tilespmem:s30+$0xFFFFFF90];
	vm1 =	vlt.s32 v11, v24;
	vm0 =	vlt.s32 v6, v27  }
0x6b: {  	vm2 =	vlt.s32 v20, v12;
	v15 =	vxor.u32 v5, v28;
	v6 =	vsel vm0, v6, v27;
	v18 =	vld [tilespmem:s30+$0xF0]  }
0x6c: {  	v27 =	vsel vm1, v11, v24;
	vm0 =	vlt.s32 v14, v15;
	v28 =	vld [tilespmem:s30+$0x20];
	vm1 =	vlt.s32 v6, v22  }
0x6d: {  	v11 =	vxor.u32 v5, v16;
	v16 =	vsel vm2, v20, v12;
	v29 =	vld [tilespmem:s30+$0x10];
	v6 =	vsel vm1, v6, v22  }
0x6e: {  	v12 =	vxor.u32 v5, v25;
	vm1 =	vlt.s32 v19, v11;
	v23 =	vxor.u32 v5, v23;
	v25 =	vld [tilespmem:s30+$0xE0]  }
0x6f: {  	vm2 =	vlt.s32 v27, v21;
	v19 =	vsel vm1, v19, v11;
	vm1 =	vlt.s32 v17, v12;
	v24 =	vld [tilespmem:s30+$0xB0]  }
.Ltmp5:
0x70: {  	v10 =	vxor.u32 v5, v10;
	v30 =	vsel vm1, v17, v12;
	v22 =	vld [tilespmem:s30+$0xFFFFFFC0];
	v11 =	vxor.u32 v5, v18;
	(pc) =	sbr.rel @p1 .LBB2_5-.Ltmp5, $4  }
0x71: {  	vm1 =	vlt.s32 v19, v10;
	v12 =	vsel vm2, v27, v21;
	vm3 =	vlt.s32 v30, v23;
	v17 =	vld [tilespmem:s30+$0xA0]  }
0x72: {  	vm2 =	vlt.s32 v16, v9;
	v20 =	vsel vm1, v19, v10;
	v18 =	vsel vm3, v30, v23;
	v23 =	vld [tilespmem:s30+$0xFFFFFFB0]  }
0x73: {  	vm4 =	vlt.s32 v13, v8;
	v21 =	vxor.u32 v5, v28;
	v19 =	vld [tilespmem:s30+$0x50];
	v10 =	vxor.u32 v5, v25  }
0x74: {  	v27 =	vxor.u32 v5, v26;
	v26 =	vxor.u32 v5, v29;
	vm1 =	vlt.s32 v18, v21;
	v25 =	vld [tilespmem:s30+$0x40]  }
0x75: {  	vm3 =	vlt.s32 v7, v27;
	v28 =	vld [tilespmem:s25+$0x30];
	v24 =	vxor.u32 v5, v24;
	vm5 =	vlt.s32 v12, v11  }
0x76: {  	v22 =	vxor.u32 v5, v22;
	v8 =	vsel vm4, v13, v8;
	v13 =	vld [tilespmem:s25+$0xD0];
	v14 =	vsel vm0, v14, v15  }
0x77: {  	v9 =	vsel vm2, v16, v9;
	vm6 =	vlt.s32 v20, v26;
	v15 =	vld [tilespmem:s25+$0x60];
	v7 =	vsel vm3, v7, v27  }
0x78: {  	v58 =	vld [tilespmem:s25+$0x90];
	v18 =	vsel vm1, v18, v21;
	v20 =	vsel vm6, v20, v26;
	vm7 =	vlt.s32 v7, v22  }
0x79: {  	v17 =	vxor.u32 v5, v17;
	v57 =	vxor.u32 v5, v23;
	v22 =	vsel vm7, v7, v22;
	v7 =	vld [tilespmem:s25+$0xC0]  }
0x7a: {  	vm13 =	vlt.s32 v18, v17;
	vm8 =	vlt.s32 v14, v57;
	v19 =	vxor.u32 v5, v19  }
0x7b: {  	v59 =	vxor.u32 v5, v25;
	v14 =	vsel vm8, v14, v57;
	v60 =	vxor.u32 v5, v28  }
0x7c: {  	vm9 =	vlt.s32 v9, v19;
	vm2 =	vlt.s32 v22, v59;
	vm10 =	vlt.s32 v14, v60  }
0x7d: {  	v61 =	vxor.u32 v5, v13;
	v13 =	vsel vm10, v14, v60;
	v14 =	vsel vm9, v9, v19  }
0x7e: {  	v9 =	vxor.u32 v5, v15;
	v15 =	vxor.u32 v5, v58;
	v62 =	vxor.u32 v5, v7  }
0x7f: {  	v7 =	vsel vm5, v12, v11;
	v11 =	vsel vm2, v22, v59;
	vm11 =	vlt.s32 v20, v15  }
0x80: {  	vm1 =	vlt.s32 v13, v24;
	vm12 =	vlt.s32 v8, v9;
	vm15 =	vlt.s32 v14, v61  }
0x81: {  	vm14 =	vlt.s32 v11, v62;
	v63 =	vsel vm12, v8, v9;
	v9 =	vsel vm13, v18, v17  }
0x82: {  	v12 =	vsel vm15, v14, v61;
	v8 =	vsel vm14, v11, v62;
	vm2 =	vlt.s32 v63, v10  }
0x83: {  	v11 =	vsel vm1, v13, v24;
	v13 =	vsel vm11, v20, v15;
	v10 =	vsel vm2, v63, v10  }
.LBB2_7:
0x84: {  	v14 =	vld [tilespmem:s26+$0xFFFFFF90]  }
0x85: {  	v15 =	vld [tilespmem:s26+$0xFFFFFFA0]  }
0x86: {  	v18 =	vld [tilespmem:s26+$0xFFFFFFD0]  }
0x87: {  	v21 =	vld [tilespmem:s26+$0x0]  }
0x88: {  	v16 =	vld [tilespmem:s26+$0xFFFFFFB0]  }
0x89: {  	v17 =	vld [tilespmem:s26+$0xFFFFFFC0]  }
0x8a: {  	v19 =	vld [tilespmem:s26+$0xFFFFFFE0]  }
0x8b: {  	v20 =	vld [tilespmem:s26+$0xFFFFFFF0];
	v14 =	vxor.u32 v5, v14;
	v15 =	vxor.u32 v5, v15;
	v62 =	vxor.u32 v5, v18  }
0x8c: {  	s28 =	sadd.s32 $0x8, s28;
	v63 =	vxor.u32 v5, v21;
	vm0 =	vlt.s32 v6, v14;
	vm1 =	vlt.s32 v13, v15  }
0x8d: {  	p1 =	slt.u32 s28, $0x188;
	vm2 =	vlt.s32 v8, v62;
	v6 =	vsel vm0, v6, v14;
	v14 =	vxor.u32 v5, v16  }
.Ltmp6:
0x8e: {  	v13 =	vsel vm1, v13, v15;
	v15 =	vxor.u32 v5, v17;
	vm11 =	vlt.s32 v9, v14;
	(pc) =	sbr.rel @p1 .LBB2_7-.Ltmp6, $4  }
0x8f: {  	vm15 =	vlt.s32 v7, v63;
	vm12 =	vlt.s32 v11, v15;
	v9 =	vsel vm11, v9, v14  }
0x90: {  	v11 =	vsel vm12, v11, v15;
	v14 =	vxor.u32 v5, v19;
	v15 =	vxor.u32 v5, v20  }
0x91: {  	v8 =	vsel vm2, v8, v62;
	vm13 =	vlt.s32 v12, v14;
	vm14 =	vlt.s32 v10, v15  }
0x92: {  	s26 =	sadd.s32 $0x80, s26;
	v7 =	vsel vm15, v7, v63;
	v12 =	vsel vm13, v12, v14;
	v10 =	vsel vm14, v10, v15  }
0x93: {  	vm0 =	vlt.s32 v6, v13;
	vm15 =	vlt.s32 v9, v11  }
0x94: {  	vm1 =	vlt.s32 v8, v12;
	vm2 =	vlt.s32 v10, v7;
	v6 =	vsel vm0, v6, v13  }
0x95: {  	v9 =	vsel vm15, v9, v11;
	v8 =	vsel vm1, v8, v12;
	v7 =	vsel vm2, v10, v7  }
0x96: {  	vm0 =	vlt.s32 v6, v9;
	vm1 =	vlt.s32 v8, v7  }
0x97: {  	v6 =	vsel vm0, v6, v9;
	v7 =	vsel vm1, v8, v7  }
0x98: {  	vm0 =	vlt.s32 v6, v7  }
0x99: {  	v6 =	vsel vm0, v6, v7  }
0x9a: {  	vm0 =	veq.s32 v6, $0x0  }
0x9b: {  	v6 =	vmpcnt.ones.xlane vm0;
	_ =	sdelay $0x1  }
0x9c: {  	(v2sf) =	vpush v6, $0x0;
	_ =	sdelay $0xe  }
0x9d: {  	s25 =	spop (v2sf)  }
0x9e: {  	p1 =	slt.s32 s25, $0x1  }
.Ltmp7:
0x9f: {  	_ = 	snop;
	(pc) =	sbr.rel @p1 .LBB2_15-.Ltmp7, $1  }
0xa0: {  	_ =	sdelay $0x3  }
0xa1: {  	s25 =	smul.u32 $0x640, s24;
	_ =	sdelay $0x1  }
0xa2: {  	s25 =	sadd.s32 s1, s25  }
0xa3: {  	[tilespmem:s17], [sflag:$0x4] =	stream.strided.gather [hbm4b:s25+s14], $0x1900, s15, s14, $0x38;
	[tilespmem:$0x6480] =	vst v63  }
0xa4: {  	_ =	swait.ge [sflag:s12], $0x1900  }
0xa5: {  	[sflag:s12] =	ssyncset.done $0x0  }
0xa6: {  	s25 =	simm.s32 $0x40;
	[sflag:s12] =	ssyncadd.s32 $0xFFFFE700  }
0xa7: {  	v7 =	vld [tilespmem:s25+$0x0]  }
0xa8: {  	v8 =	vld [tilespmem:s25+$0x10]  }
0xa9: {  	v10 =	vld [tilespmem:s25+$0x20]  }
0xaa: {  	v11 =	vld [tilespmem:s25+$0x30]  }
0xab: {  	v14 =	vld [tilespmem:s25+$0xFFFFFFC0]  }
0xac: {  	s26 =	simm.s32 $0x0;
	v6 =	vimm.s32 $0x3FFFFFFF;
	s0 =	simm.s32 $0x4;
	s28 =	simm.s32 $0x5;
	v9 =	vimm.s32 $0x3FFFFFFF;
	v19 =	vld [tilespmem:s25+$0xFFFFFFD0]  }
0xad: {  	s29 =	simm.s32 $0x6;
	s30 =	simm.s32 $0x1;
	s31 =	simm.s32 $0x2;
	v13 =	vmov s26;
	v20 =	vmov s0;
	v15 =	vmov s28;
	v22 =	vld [tilespmem:s25+$0xFFFFFFE0]  }
0xae: {  	v16 =	vmov s29;
	s29 =	simm.s32 $0x7;
	v17 =	vmov s30;
	v12 =	vmov s31;
	s31 =	simm.s32 $0x3;
	v23 =	vld [tilespmem:s25+$0xFFFFFFF0]  }
0xaf: {  	v21 =	vmov s29;
	v18 =	vmov s31;
	vm1 =	veq.s32 v7, v5  }
0xb0: {  	s26 =	simm.s32 $0x8;
	vm0 =	veq.s32 v8, v5;
	v7 =	vimm.s32 $0x3FFFFFFF;
	v8 =	vimm.s32 $0x3FFFFFFF  }
.LBB2_10:
0xb1: {  	p1 =	slt.u32 s26, $0x188;
	vm2 =	veq.s32 v14, v5;
	vm3 =	veq.s32 v10, v5;
	vm4 =	veq.s32 v11, v5  }
0xb2: {  	v10 =	vnsel vm2, $0x3FFFFFFF, v13;
	vm2 =	veq.s32 v19, v5;
	vm5 =	veq.s32 v22, v5  }
0xb3: {  	v11 =	vnsel vm1, $0x3FFFFFFF, v20;
	vm6 =	vlt.s32 v6, v10;
	vm7 =	veq.s32 v23, v5  }
0xb4: {  	s25 =	sadd.s32 $0x80, s25;
	v13 =	vnsel vm0, $0x3FFFFFFF, v15;
	v15 =	vnsel vm3, $0x3FFFFFFF, v16;
	v6 =	vsel vm6, v6, v10  }
0xb5: {  	v16 =	vnsel vm4, $0x3FFFFFFF, v21;
	v14 =	vnsel vm2, $0x3FFFFFFF, v17;
	v24 =	vld [tilespmem:s25+$0x0];
	vm0 =	vlt.s32 v6, v11  }
0xb6: {  	v12 =	vnsel vm5, $0x3FFFFFFF, v12;
	v17 =	vnsel vm7, $0x3FFFFFFF, v18;
	v25 =	vld [tilespmem:s25+$0x10];
	v6 =	vsel vm0, v6, v11  }
0xb7: {  	vm1 =	vlt.s32 v8, v12;
	vm2 =	vlt.s32 v9, v17;
	vm0 =	vlt.s32 v7, v14;
	v10 =	vld [tilespmem:s25+$0x20]  }
0xb8: {  	v8 =	vsel vm1, v8, v12;
	v9 =	vsel vm2, v9, v17;
	v7 =	vsel vm0, v7, v14;
	v11 =	vld [tilespmem:s25+$0x30]  }
0xb9: {  	vm1 =	vlt.s32 v8, v15;
	vm2 =	vlt.s32 v9, v16;
	vm0 =	vlt.s32 v7, v13;
	v14 =	vld [tilespmem:s25+$0xFFFFFFC0]  }
.Ltmp8:
0xba: {  	v8 =	vsel vm1, v8, v15;
	v9 =	vsel vm2, v9, v16;
	v7 =	vsel vm0, v7, v13;
	v19 =	vld [tilespmem:s25+$0xFFFFFFD0];
	(pc) =	sbr.rel @p1 .LBB2_10-.Ltmp8, $4  }
0xbb: {  	s28 =	sadd.s32 $0x4, s26;
	s29 =	sadd.s32 $0x5, s26;
	s30 =	sadd.s32 $0x6, s26;
	v13 =	vmov s26;
	v22 =	vld [tilespmem:s25+$0xFFFFFFE0]  }
0xbc: {  	s31 =	sadd.s32 $0x1, s26;
	s0 =	sadd.s32 $0x2, s26;
	v20 =	vmov s28;
	s28 =	sadd.s32 $0x7, s26;
	v15 =	vmov s29;
	v16 =	vmov s30;
	v23 =	vld [tilespmem:s25+$0xFFFFFFF0]  }
0xbd: {  	v21 =	vmov s28;
	v12 =	vmov s0;
	s0 =	sadd.s32 $0x3, s26;
	v17 =	vmov s31  }
0xbe: {  	v18 =	vmov s0;
	s26 =	sadd.s32 $0x8, s26;
	vm1 =	veq.s32 v24, v5;
	vm0 =	veq.s32 v25, v5  }
0xbf: {  	vm2 =	veq.s32 v14, v5;
	vm3 =	veq.s32 v10, v5;
	vm4 =	veq.s32 v11, v5  }
0xc0: {  	v58 =	vnsel vm1, $0x3FFFFFFF, v20;
	v59 =	vnsel vm0, $0x3FFFFFFF, v15;
	v57 =	vnsel vm2, $0x3FFFFFFF, v13  }
0xc1: {  	vm2 =	veq.s32 v19, v5;
	vm5 =	veq.s32 v22, v5;
	v60 =	vnsel vm3, $0x3FFFFFFF, v16  }
0xc2: {  	v62 =	vnsel vm4, $0x3FFFFFFF, v21;
	vm6 =	vlt.s32 v6, v57;
	vm7 =	veq.s32 v23, v5  }
0xc3: {  	v61 =	vnsel vm2, $0x3FFFFFFF, v17;
	v12 =	vnsel vm5, $0x3FFFFFFF, v12;
	v6 =	vsel vm6, v6, v57  }
0xc4: {  	v63 =	vnsel vm7, $0x3FFFFFFF, v18;
	vm1 =	vlt.s32 v8, v12;
	vm0 =	vlt.s32 v6, v58  }
0xc5: {  	vm2 =	vlt.s32 v9, v63;
	v6 =	vsel vm0, v6, v58;
	vm0 =	vlt.s32 v7, v61  }
0xc6: {  	v8 =	vsel vm1, v8, v12;
	v9 =	vsel vm2, v9, v63;
	v7 =	vsel vm0, v7, v61  }
0xc7: {  	vm1 =	vlt.s32 v8, v60;
	vm2 =	vlt.s32 v9, v62;
	vm0 =	vlt.s32 v7, v59  }
0xc8: {  	v8 =	vsel vm1, v8, v60;
	v9 =	vsel vm2, v9, v62;
	v7 =	vsel vm0, v7, v59  }
0xc9: {  	vm1 =	vlt.s32 v8, v9;
	vm0 =	vlt.s32 v6, v7  }
0xca: {  	v6 =	vsel vm0, v6, v7;
	v7 =	vsel vm1, v8, v9  }
0xcb: {  	vm0 =	vlt.s32 v6, v7  }
0xcc: {  	v6 =	vsel vm0, v6, v7  }
0xcd: {  	vm0 =	vne.s32 v6, $0x3FFFFFFF  }
0xce: {  	v7 =	vmpcnt.ones.xlane vm0;
	_ =	sdelay $0x1  }
0xcf: {  	(v2sf) =	vpush v7, $0x0;
	_ =	sdelay $0xe  }
0xd0: {  	s0 =	spop (v2sf)  }
0xd1: {  	p1 =	slt.s32 s0, $0x1  }
.Ltmp9:
0xd2: {  	_ = 	snop;
	(pc) =	sbr.rel @p1 .LBB2_15-.Ltmp9, $1  }
0xd3: {  	_ =	sdelay $0x3  }
.LBB2_12:
0xd4: {  	v7 =	vshll.u32 v6, $0x4  }
0xd5: {  	v7 =	vor.u32 v1, v7  }
0xd6: {  	v7 =	vsel vm0, v7, v1;
	_ =	sdelay $0x4  }
0xd7: {  	v7 =	vld.idx.msk [tilespmem:v7+s17+$0x0], $0xffff;
	_ =	sdelay $0x4  }
0xd8: {  	vm1 =	vne.s32 v7, v5  }
0xd9: {  	v7 =	vadd.s32 v0, v7;
	vm0 =	vmand vm0, vm1  }
0xda: {  	v7 =	vsel vm0, v7, v2;
	_ =	sdelay $0x3  }
0xdb: {  	s0 =	simm.s32 $0x0;
	vm0 =	vmmov $0xffff  }
0xdc: {  	[hbm4b:s5+s0] =	stream.indirect_vreg.scatter [tilespmem:s18], [sflag:$0x3], $0x1, v7, vm0, $0xb8;
	[tilespmem:$0x6480] =	vst v63  }
0xdd: {  	_ =	swait.ge [sflag:s19], $0x10  }
0xde: {  	[sflag:s19] =	ssyncset.done $0x0  }
0xdf: {  	s25 =	simm.s32 $0x40;
	[sflag:s19] =	ssyncadd.s32 $0xFFFFFFF0  }
0xe0: {  	v8 =	vld [tilespmem:s25+$0x0]  }
0xe1: {  	v9 =	vld [tilespmem:s25+$0x10]  }
0xe2: {  	v10 =	vld [tilespmem:s25+$0x20]  }
0xe3: {  	s26 =	simm.s32 $0x4;
	s31 =	simm.s32 $0x6;
	v19 =	vld [tilespmem:s25+$0x30]  }
0xe4: {  	s28 =	simm.s32 $0x7;
	s29 =	simm.s32 $0x1;
	s30 =	simm.s32 $0x2;
	v13 =	vmov s0;
	v11 =	vmov s26;
	v15 =	vmov s31;
	v20 =	vld [tilespmem:s25+$0xFFFFFFC0]  }
0xe5: {  	s26 =	simm.s32 $0x5;
	v12 =	vmov s28;
	v17 =	vmov s29;
	v16 =	vmov s30;
	s31 =	simm.s32 $0x3;
	v21 =	vld [tilespmem:s25+$0xFFFFFFD0]  }
0xe6: {  	v14 =	vmov s26;
	v18 =	vmov s31;
	vm4 =	vgt.s32 v11, v6;
	v22 =	vld [tilespmem:s25+$0xFFFFFFE0]  }
0xe7: {  	vm6 =	vgt.s32 v15, v6;
	vm7 =	vgt.s32 v12, v6;
	vm3 =	vgt.s32 v16, v6  }
0xe8: {  	vm5 =	vgt.s32 v14, v6;
	vm2 =	vgt.s32 v18, v6;
	vm9 =	veq.s32 v19, v5;
	v19 =	vld [tilespmem:s25+$0xFFFFFFF0]  }
0xe9: {  	vm1 =	vgt.s32 v17, v6;
	v7 =	vimm.s32 $0x3FFFFFFF;
	vm0 =	vgt.s32 v13, v6  }
0xea: {  	vm12 =	veq.s32 v8, v5;
	vm13 =	veq.s32 v9, v5;
	vm8 =	veq.s32 v10, v5  }
0xeb: {  	vm14 =	veq.s32 v20, v5;
	vm10 =	veq.s32 v21, v5;
	vm11 =	veq.s32 v22, v5  }
0xec: {  	s26 =	simm.s32 $0x8;
	v8 =	vimm.s32 $0x3FFFFFFF;
	v9 =	vimm.s32 $0x3FFFFFFF;
	v10 =	vimm.s32 $0x3FFFFFFF  }
.LBB2_13:
0xed: {  	p1 =	slt.u32 s26, $0x188;
	vm15 =	veq.s32 v19, v5;
	vm4 =	vmand vm4, vm12;
	vm5 =	vmand vm5, vm13  }
0xee: {  	vm0 =	vmand vm0, vm14;
	vm6 =	vmand vm6, vm8;
	vm7 =	vmand vm7, vm9  }
0xef: {  	v13 =	vnsel vm0, $0x3FFFFFFF, v13;
	vm0 =	vmand vm1, vm10;
	vm1 =	vmand vm3, vm11  }
0xf0: {  	vm2 =	vmand vm2, vm15;
	v11 =	vnsel vm4, $0x3FFFFFFF, v11;
	vm3 =	vlt.s32 v7, v13  }
0xf1: {  	v7 =	vsel vm3, v7, v13;
	v13 =	vnsel vm5, $0x3FFFFFFF, v14;
	v14 =	vnsel vm6, $0x3FFFFFFF, v15  }
0xf2: {  	v12 =	vnsel vm7, $0x3FFFFFFF, v12;
	v15 =	vnsel vm0, $0x3FFFFFFF, v17;
	vm0 =	vlt.s32 v7, v11  }
0xf3: {  	s25 =	sadd.s32 $0x80, s25;
	v16 =	vnsel vm1, $0x3FFFFFFF, v16;
	v17 =	vnsel vm2, $0x3FFFFFFF, v18;
	v7 =	vsel vm0, v7, v11  }
0xf4: {  	vm1 =	vlt.s32 v9, v16;
	vm2 =	vlt.s32 v10, v17;
	vm0 =	vlt.s32 v8, v15;
	v20 =	vld [tilespmem:s25+$0x0]  }
0xf5: {  	v9 =	vsel vm1, v9, v16;
	v10 =	vsel vm2, v10, v17;
	v8 =	vsel vm0, v8, v15;
	v21 =	vld [tilespmem:s25+$0x10]  }
0xf6: {  	vm1 =	vlt.s32 v9, v14;
	vm2 =	vlt.s32 v10, v12;
	vm0 =	vlt.s32 v8, v13;
	v22 =	vld [tilespmem:s25+$0x20]  }
0xf7: {  	s0 =	sadd.s32 $0x4, s26;
	v9 =	vsel vm1, v9, v14;
	v10 =	vsel vm2, v10, v12;
	v8 =	vsel vm0, v8, v13;
	v23 =	vld [tilespmem:s25+$0x30]  }
0xf8: {  	s28 =	sadd.s32 $0x6, s26;
	s29 =	sadd.s32 $0x7, s26;
	v11 =	vmov s0;
	s0 =	sadd.s32 $0x5, s26;
	v13 =	vmov s26;
	v24 =	vld [tilespmem:s25+$0xFFFFFFC0]  }
0xf9: {  	s30 =	sadd.s32 $0x1, s26;
	s31 =	sadd.s32 $0x2, s26;
	v14 =	vmov s0;
	v15 =	vmov s28;
	v12 =	vmov s29;
	v25 =	vld [tilespmem:s25+$0xFFFFFFD0]  }
0xfa: {  	v16 =	vmov s31;
	v17 =	vmov s30;
	s0 =	sadd.s32 $0x3, s26;
	vm0 =	vgt.s32 v13, v6;
	v26 =	vld [tilespmem:s25+$0xFFFFFFE0]  }
.Ltmp10:
0xfb: {  	vm4 =	vgt.s32 v11, v6;
	v18 =	vmov s0;
	vm5 =	vgt.s32 v14, v6;
	v19 =	vld [tilespmem:s25+$0xFFFFFFF0];
	(pc) =	sbr.rel @p1 .LBB2_13-.Ltmp10, $4  }
0xfc: {  	vm1 =	vgt.s32 v17, v6;
	vm6 =	vgt.s32 v15, v6;
	vm7 =	vgt.s32 v12, v6  }
0xfd: {  	vm3 =	vgt.s32 v16, v6;
	vm2 =	vgt.s32 v18, v6;
	vm12 =	veq.s32 v20, v5  }
0xfe: {  	vm13 =	veq.s32 v21, v5;
	vm8 =	veq.s32 v22, v5;
	vm9 =	veq.s32 v23, v5  }
0xff: {  	s26 =	sadd.s32 $0x8, s26;
	vm14 =	veq.s32 v24, v5;
	vm10 =	veq.s32 v25, v5;
	vm11 =	veq.s32 v26, v5  }
0x100: {  	vm15 =	veq.s32 v19, v5;
	vm4 =	vmand vm4, vm12;
	vm5 =	vmand vm5, vm13  }
0x101: {  	vm0 =	vmand vm0, vm14;
	vm6 =	vmand vm6, vm8;
	vm7 =	vmand vm7, vm9  }
0x102: {  	v6 =	vnsel vm0, $0x3FFFFFFF, v13;
	vm0 =	vmand vm1, vm10;
	vm1 =	vmand vm3, vm11  }
0x103: {  	vm2 =	vmand vm2, vm15;
	v11 =	vnsel vm4, $0x3FFFFFFF, v11;
	v59 =	vnsel vm6, $0x3FFFFFFF, v15  }
0x104: {  	v12 =	vnsel vm7, $0x3FFFFFFF, v12;
	vm3 =	vlt.s32 v7, v6;
	v60 =	vnsel vm0, $0x3FFFFFFF, v17  }
0x105: {  	v61 =	vnsel vm1, $0x3FFFFFFF, v16;
	v62 =	vnsel vm2, $0x3FFFFFFF, v18;
	v6 =	vsel vm3, v7, v6  }
0x106: {  	v7 =	vnsel vm5, $0x3FFFFFFF, v14;
	vm1 =	vlt.s32 v9, v61;
	vm0 =	vlt.s32 v6, v11  }
0x107: {  	vm2 =	vlt.s32 v10, v62;
	v6 =	vsel vm0, v6, v11;
	vm0 =	vlt.s32 v8, v60  }
0x108: {  	v9 =	vsel vm1, v9, v61;
	v10 =	vsel vm2, v10, v62;
	v8 =	vsel vm0, v8, v60  }
0x109: {  	vm1 =	vlt.s32 v9, v59;
	vm2 =	vlt.s32 v10, v12;
	vm0 =	vlt.s32 v8, v7  }
0x10a: {  	v63 =	vsel vm2, v10, v12;
	v7 =	vsel vm0, v8, v7;
	v8 =	vsel vm1, v9, v59  }
0x10b: {  	vm0 =	vlt.s32 v6, v7;
	vm1 =	vlt.s32 v8, v63  }
0x10c: {  	v6 =	vsel vm0, v6, v7;
	v7 =	vsel vm1, v8, v63  }
0x10d: {  	vm0 =	vlt.s32 v6, v7  }
0x10e: {  	v6 =	vsel vm0, v6, v7  }
0x10f: {  	vm0 =	vne.s32 v6, $0x3FFFFFFF  }
0x110: {  	v7 =	vmpcnt.ones.xlane vm0;
	_ =	sdelay $0x1  }
0x111: {  	(v2sf) =	vpush v7, $0x0;
	_ =	sdelay $0xe  }
0x112: {  	s0 =	spop (v2sf)  }
0x113: {  	p1 =	sgt.s32 s0, $0x0  }
.Ltmp11:
0x114: {  	_ = 	snop;
	(pc) =	sbr.rel @p1 .LBB2_12-.Ltmp11, $1  }
0x115: {  	_ =	sdelay $0x3  }
.LBB2_15:
0x116: {  	p1 =	sgt.u32 s24, $0x3A7  }
.Ltmp12:
0x117: {  	_ = 	snop;
	(pc) =	sbr.rel @p1 .LBB2_17-.Ltmp12, $1  }
0x118: {  	_ =	sdelay $0x3  }
0x119: {  	s0 =	smul.u32 $0x3200, s24  }
.Ltmp13:
0x11a: {  	_ = 	snop;
	(pc) =	sbr.rel .LBB2_18-.Ltmp13, $4  }
0x11b: {  	s0 =	sshrl.u32 s0, $0x3  }
0x11c: {  	s0 =	sadd.s32 s7, s0  }
0x11d: {  	s0 =	sadd.s32 $0x19000, s0  }
0x11e: {  	[tilespmem:s2], [sflag:$0x1] =	stream.strided.gather [hbm4b:s0+s14], $0x1900, s15, s14, $0x38;
	[tilespmem:$0x6480] =	vst v63  }
.LBB2_17:
.Ltmp14:
0x11f: {  	(pc) =	sbr.rel @p0 .LBB2_29-.Ltmp14, $1  }
0x120: {  	_ =	sdelay $0x3  }
.LBB2_18:
0x121: {  	_ =	swait.ge [sflag:s20], $0x1900  }
0x122: {  	[sflag:s20] =	ssyncset.done $0x0  }
0x123: {  	s24 =	simm.s32 $0x1A00;
	[sflag:s20] =	ssyncadd.s32 $0xFFFFE700  }
0x124: {  	v6 =	vld [tilespmem:s24+$0x70]  }
0x125: {  	v8 =	vld [tilespmem:s24+$0x80]  }
0x126: {  	v9 =	vld [tilespmem:s24+$0x0]  }
0x127: {  	v10 =	vld [tilespmem:s24+$0xFFFFFFF0]  }
0x128: {  	v11 =	vld [tilespmem:s24+$0xFFFFFF80]  }
0x129: {  	v12 =	vld [tilespmem:s24+$0xFFFFFF00]  }
0x12a: {  	v13 =	vld [tilespmem:s24+$0xFFFFFFD0]  }
0x12b: {  	v14 =	vld [tilespmem:s24+$0xFFFFFFE0]  }
0x12c: {  	v15 =	vld [tilespmem:s24+$0xFFFFFF70]  }
0x12d: {  	v16 =	vld [tilespmem:s24+$0xFFFFFF60]  }
0x12e: {  	v20 =	vld [tilespmem:s24+$0xFFFFFF30]  }
0x12f: {  	v21 =	vld [tilespmem:s24+$0xFFFFFF10]  }
0x130: {  	v7 =	vimm.s32 $0x7FFFFFFF;
	v24 =	vld [tilespmem:s24+$0xFFFFFF90];
	v12 =	vxor.u32 v5, v12  }
0x131: {  	v26 =	vld [tilespmem:s24+$0x10];
	v18 =	vxor.u32 v5, v6;
	v6 =	vxor.u32 v5, v8;
	v10 =	vxor.u32 v5, v10  }
0x132: {  	v19 =	vxor.u32 v5, v9;
	v11 =	vxor.u32 v5, v11;
	v8 =	vxor.u32 v5, v14  }
0x133: {  	v17 =	vld [tilespmem:s24+$0xFFFFFF50];
	v14 =	vxor.u32 v5, v15;
	v9 =	vxor.u32 v5, v13;
	v13 =	vxor.u32 v5, v16  }
0x134: {  	v15 =	vxor.u32 v5, v20;
	v20 =	vxor.u32 v5, v21;
	vm0 =	vlt.s32 v7, v12  }
0x135: {  	v24 =	vxor.u32 v5, v24;
	vm1 =	vlt.s32 v7, v14;
	v12 =	vsel vm0, v7, v12  }
0x136: {  	v27 =	vld [tilespmem:s24+$0xE0];
	v26 =	vxor.u32 v5, v26;
	v14 =	vsel vm1, v7, v14;
	vm0 =	vlt.s32 v12, v11  }
0x137: {  	v22 =	vld [tilespmem:s24+$0xFFFFFF20];
	vm1 =	vlt.s32 v14, v10;
	v11 =	vsel vm0, v12, v11;
	vm0 =	vlt.s32 v7, v13  }
0x138: {  	v25 =	vld [tilespmem:s24+$0xFFFFFF40];
	v12 =	vxor.u32 v5, v17;
	v13 =	vsel vm0, v7, v13;
	vm0 =	vlt.s32 v11, v19  }
0x139: {  	v17 =	vld [tilespmem:s24+$0xFFFFFFA0];
	v10 =	vsel vm1, v14, v10;
	vm2 =	vlt.s32 v7, v12;
	v11 =	vsel vm0, v11, v19  }
0x13a: {  	v23 =	vld [tilespmem:s24+$0xB0];
	vm0 =	vlt.s32 v7, v15;
	v16 =	vsel vm2, v7, v12;
	vm2 =	vlt.s32 v10, v18  }
0x13b: {  	v14 =	vld [tilespmem:s24+$0x20];
	vm1 =	vlt.s32 v11, v6;
	v12 =	vsel vm2, v10, v18;
	v10 =	vxor.u32 v5, v27  }
0x13c: {  	v19 =	vld [tilespmem:s24+$0xF0];
	v6 =	vsel vm1, v11, v6;
	vm1 =	vlt.s32 v7, v20;
	v11 =	vxor.u32 v5, v22  }
0x13d: {  	v27 =	vxor.u32 v5, v25;
	v25 =	vld [tilespmem:s24+$0x40];
	v20 =	vsel vm1, v7, v20;
	vm1 =	vlt.s32 v7, v11  }
0x13e: {  	vm4 =	vlt.s32 v13, v8;
	v22 =	vld [tilespmem:s24+$0xFFFFFFC0];
	v21 =	vxor.u32 v5, v17;
	v28 =	vsel vm1, v7, v11  }
0x13f: {  	vm2 =	vlt.s32 v16, v9;
	v17 =	vld [tilespmem:s24+$0xA0];
	vm1 =	vlt.s32 v20, v24;
	vm3 =	vlt.s32 v28, v21  }
0x140: {  	v20 =	vsel vm1, v20, v24;
	v24 =	vld [tilespmem:s24+$0xFFFFFFB0];
	v18 =	vsel vm3, v28, v21;
	v21 =	vxor.u32 v5, v14  }
0x141: {  	s26 =	simm.s32 $0x0;
	s25 =	simm.s32 $0x3170;
	s28 =	simm.s32 $0x1A00;
	v11 =	vxor.u32 v5, v19;
	v19 =	vld [tilespmem:s24+$0x50];
	v14 =	vimm.s32 $0x7FFFFFFF;
	vm1 =	vlt.s32 v18, v21  }
.LBB2_19:
0x142: {  	s26 =	sadd.s32 $0x20, s26;
	vm5 =	vlt.s32 v7, v27;
	v28 =	vld [tilespmem:s24+$0x30];
	v23 =	vxor.u32 v5, v23;
	vm3 =	vlt.s32 v12, v11;
	s28 =	sadd.s32 $0x200, s28  }
0x143: {  	v22 =	vxor.u32 v5, v22;
	v8 =	vsel vm4, v13, v8;
	p0 =	slt.u32 s26, $0x160;
	v7 =	vsel vm5, v7, v27;
	v13 =	vld [tilespmem:s24+$0xD0]  }
0x144: {  	v14 =	vsel vm0, v14, v15;
	v9 =	vsel vm2, v16, v9;
	vm0 =	vlt.s32 v20, v26;
	v15 =	vld [tilespmem:s24+$0x60]  }
0x145: {  	v20 =	vsel vm0, v20, v26;
	v16 =	vxor.u32 v5, v24;
	vm2 =	vlt.s32 v7, v22;
	v24 =	vld [tilespmem:s24+$0x90]  }
0x146: {  	v18 =	vsel vm1, v18, v21;
	vm0 =	vlt.s32 v14, v16;
	v7 =	vsel vm2, v7, v22;
	v21 =	vld [tilespmem:s24+$0xC0];
	s24 =	smov.u32 s28  }
0x147: {  	v17 =	vxor.u32 v5, v17;
	v19 =	vxor.u32 v5, v19;
	v25 =	vxor.u32 v5, v25;
	v22 =	vld [tilespmem:s28+$0x70]  }
0x148: {  	v14 =	vsel vm0, v14, v16;
	vm0 =	vlt.s32 v9, v19;
	v16 =	vxor.u32 v5, v28;
	v26 =	vld [tilespmem:s28+$0x80]  }
0x149: {  	vm2 =	vlt.s32 v7, v25;
	vm1 =	vlt.s32 v14, v16;
	v13 =	vxor.u32 v5, v13;
	v27 =	vld [tilespmem:s28+$0x0]  }
0x14a: {  	v9 =	vsel vm0, v9, v19;
	v14 =	vsel vm1, v14, v16;
	v15 =	vxor.u32 v5, v15;
	v28 =	vld [tilespmem:s28+$0xFFFFFFF0]  }
0x14b: {  	v11 =	vsel vm3, v12, v11;
	v19 =	vxor.u32 v5, v24;
	v16 =	vld [tilespmem:s28+$0xFFFFFF80];
	v21 =	vxor.u32 v5, v21  }
0x14c: {  	v7 =	vsel vm2, v7, v25;
	vm1 =	vlt.s32 v14, v23;
	vm0 =	vlt.s32 v20, v19;
	v12 =	vld [tilespmem:s28+$0xFFFFFF00]  }
0x14d: {  	vm3 =	vlt.s32 v18, v17;
	vm2 =	vlt.s32 v8, v15;
	vm4 =	vlt.s32 v7, v21;
	v24 =	vld [tilespmem:s28+$0xFFFFFFD0]  }
0x14e: {  	v17 =	vsel vm3, v18, v17;
	v8 =	vsel vm2, v8, v15;
	v7 =	vsel vm4, v7, v21;
	v25 =	vld [tilespmem:s28+$0xFFFFFFE0]  }
0x14f: {  	v14 =	vsel vm1, v14, v23;
	vm1 =	vlt.s32 v9, v13;
	vm2 =	vlt.s32 v8, v10;
	v15 =	vld [tilespmem:s28+$0xFFFFFF70]  }
0x150: {  	v19 =	vsel vm0, v20, v19;
	v20 =	vsel vm1, v9, v13;
	v10 =	vsel vm2, v8, v10;
	v18 =	vld [tilespmem:s28+$0xFFFFFF60]  }
0x151: {  	v21 =	vxor.u32 v5, v22;
	v22 =	vxor.u32 v5, v26;
	v8 =	vxor.u32 v5, v12;
	v12 =	vld [tilespmem:s28+$0xFFFFFF50]  }
0x152: {  	v27 =	vxor.u32 v5, v27;
	v23 =	vxor.u32 v5, v28;
	vm0 =	vlt.s32 v6, v8;
	v26 =	vld [tilespmem:s28+$0xFFFFFF40]  }
0x153: {  	v13 =	vxor.u32 v5, v16;
	v6 =	vsel vm0, v6, v8;
	v28 =	vld [tilespmem:s28+$0xFFFFFF30];
	v8 =	vxor.u32 v5, v25  }
0x154: {  	v9 =	vxor.u32 v5, v24;
	v25 =	vld [tilespmem:s28+$0xFFFFFF20];
	v15 =	vxor.u32 v5, v15;
	vm0 =	vlt.s32 v6, v13  }
0x155: {  	v16 =	vld [tilespmem:s28+$0xFFFFFF10];
	v18 =	vxor.u32 v5, v18;
	vm1 =	vlt.s32 v11, v15;
	v6 =	vsel vm0, v6, v13  }
0x156: {  	v12 =	vxor.u32 v5, v12;
	vm0 =	vlt.s32 v10, v18;
	v11 =	vsel vm1, v11, v15;
	v24 =	vld [tilespmem:s28+$0xFFFFFFA0]  }
0x157: {  	v13 =	vsel vm0, v10, v18;
	v10 =	vld [tilespmem:s28+$0xFFFFFF90];
	vm1 =	vlt.s32 v11, v23;
	vm0 =	vlt.s32 v6, v27  }
0x158: {  	vm2 =	vlt.s32 v20, v12;
	v15 =	vxor.u32 v5, v28;
	v6 =	vsel vm0, v6, v27;
	v18 =	vld [tilespmem:s28+$0xF0]  }
0x159: {  	v27 =	vsel vm1, v11, v23;
	vm0 =	vlt.s32 v14, v15;
	v28 =	vld [tilespmem:s28+$0x20];
	vm1 =	vlt.s32 v6, v22  }
0x15a: {  	v11 =	vxor.u32 v5, v16;
	v16 =	vsel vm2, v20, v12;
	v29 =	vld [tilespmem:s28+$0x10];
	v6 =	vsel vm1, v6, v22  }
0x15b: {  	v12 =	vxor.u32 v5, v25;
	vm1 =	vlt.s32 v19, v11;
	v24 =	vxor.u32 v5, v24;
	v25 =	vld [tilespmem:s28+$0xE0]  }
0x15c: {  	vm2 =	vlt.s32 v27, v21;
	v19 =	vsel vm1, v19, v11;
	vm1 =	vlt.s32 v17, v12;
	v23 =	vld [tilespmem:s28+$0xB0]  }
.Ltmp15:
0x15d: {  	v10 =	vxor.u32 v5, v10;
	v30 =	vsel vm1, v17, v12;
	v22 =	vld [tilespmem:s28+$0xFFFFFFC0];
	v11 =	vxor.u32 v5, v18;
	(pc) =	sbr.rel @p0 .LBB2_19-.Ltmp15, $4  }
0x15e: {  	vm1 =	vlt.s32 v19, v10;
	v12 =	vsel vm2, v27, v21;
	vm3 =	vlt.s32 v30, v24;
	v17 =	vld [tilespmem:s28+$0xA0]  }
0x15f: {  	vm2 =	vlt.s32 v16, v9;
	v20 =	vsel vm1, v19, v10;
	v18 =	vsel vm3, v30, v24;
	v24 =	vld [tilespmem:s28+$0xFFFFFFB0]  }
0x160: {  	vm4 =	vlt.s32 v13, v8;
	v21 =	vxor.u32 v5, v28;
	v19 =	vld [tilespmem:s28+$0x50];
	v10 =	vxor.u32 v5, v25  }
0x161: {  	v27 =	vxor.u32 v5, v26;
	v26 =	vxor.u32 v5, v29;
	vm1 =	vlt.s32 v18, v21;
	v25 =	vld [tilespmem:s28+$0x40]  }
0x162: {  	vm3 =	vlt.s32 v7, v27;
	v28 =	vld [tilespmem:s24+$0x30];
	v23 =	vxor.u32 v5, v23;
	vm5 =	vlt.s32 v12, v11  }
0x163: {  	v22 =	vxor.u32 v5, v22;
	v8 =	vsel vm4, v13, v8;
	v13 =	vld [tilespmem:s24+$0xD0];
	v14 =	vsel vm0, v14, v15  }
0x164: {  	v9 =	vsel vm2, v16, v9;
	vm6 =	vlt.s32 v20, v26;
	v15 =	vld [tilespmem:s24+$0x60];
	v7 =	vsel vm3, v7, v27  }
0x165: {  	v58 =	vld [tilespmem:s24+$0x90];
	v18 =	vsel vm1, v18, v21;
	v20 =	vsel vm6, v20, v26;
	vm7 =	vlt.s32 v7, v22  }
0x166: {  	v17 =	vxor.u32 v5, v17;
	v57 =	vxor.u32 v5, v24;
	v22 =	vsel vm7, v7, v22;
	v7 =	vld [tilespmem:s24+$0xC0]  }
0x167: {  	vm13 =	vlt.s32 v18, v17;
	vm8 =	vlt.s32 v14, v57;
	v19 =	vxor.u32 v5, v19  }
0x168: {  	v59 =	vxor.u32 v5, v25;
	v14 =	vsel vm8, v14, v57;
	v60 =	vxor.u32 v5, v28  }
0x169: {  	vm9 =	vlt.s32 v9, v19;
	vm2 =	vlt.s32 v22, v59;
	vm10 =	vlt.s32 v14, v60  }
0x16a: {  	v61 =	vxor.u32 v5, v13;
	v13 =	vsel vm10, v14, v60;
	v14 =	vsel vm9, v9, v19  }
0x16b: {  	v9 =	vxor.u32 v5, v15;
	v15 =	vxor.u32 v5, v58;
	v62 =	vxor.u32 v5, v7  }
0x16c: {  	v7 =	vsel vm5, v12, v11;
	v11 =	vsel vm2, v22, v59;
	vm11 =	vlt.s32 v20, v15  }
0x16d: {  	vm1 =	vlt.s32 v13, v23;
	vm12 =	vlt.s32 v8, v9;
	vm15 =	vlt.s32 v14, v61  }
0x16e: {  	vm14 =	vlt.s32 v11, v62;
	v63 =	vsel vm12, v8, v9;
	v9 =	vsel vm13, v18, v17  }
0x16f: {  	v12 =	vsel vm15, v14, v61;
	v8 =	vsel vm14, v11, v62;
	vm2 =	vlt.s32 v63, v10  }
0x170: {  	s24 =	simm.s32 $0x178;
	v11 =	vsel vm1, v13, v23;
	v13 =	vsel vm11, v20, v15;
	v10 =	vsel vm2, v63, v10  }
.LBB2_21:
0x171: {  	v14 =	vld [tilespmem:s25+$0xFFFFFF90]  }
0x172: {  	v15 =	vld [tilespmem:s25+$0xFFFFFFA0]  }
0x173: {  	v18 =	vld [tilespmem:s25+$0xFFFFFFD0]  }
0x174: {  	v21 =	vld [tilespmem:s25+$0x0]  }
0x175: {  	v16 =	vld [tilespmem:s25+$0xFFFFFFB0]  }
0x176: {  	v17 =	vld [tilespmem:s25+$0xFFFFFFC0]  }
0x177: {  	v19 =	vld [tilespmem:s25+$0xFFFFFFE0]  }
0x178: {  	v20 =	vld [tilespmem:s25+$0xFFFFFFF0];
	v14 =	vxor.u32 v5, v14;
	v15 =	vxor.u32 v5, v15;
	v62 =	vxor.u32 v5, v18  }
0x179: {  	s24 =	sadd.s32 $0x8, s24;
	v63 =	vxor.u32 v5, v21;
	vm0 =	vlt.s32 v6, v14;
	vm1 =	vlt.s32 v13, v15  }
0x17a: {  	p0 =	slt.u32 s24, $0x188;
	vm2 =	vlt.s32 v8, v62;
	v6 =	vsel vm0, v6, v14;
	v14 =	vxor.u32 v5, v16  }
.Ltmp16:
0x17b: {  	v13 =	vsel vm1, v13, v15;
	v15 =	vxor.u32 v5, v17;
	vm11 =	vlt.s32 v9, v14;
	(pc) =	sbr.rel @p0 .LBB2_21-.Ltmp16, $4  }
0x17c: {  	vm15 =	vlt.s32 v7, v63;
	vm12 =	vlt.s32 v11, v15;
	v9 =	vsel vm11, v9, v14  }
0x17d: {  	v11 =	vsel vm12, v11, v15;
	v14 =	vxor.u32 v5, v19;
	v15 =	vxor.u32 v5, v20  }
0x17e: {  	v8 =	vsel vm2, v8, v62;
	vm13 =	vlt.s32 v12, v14;
	vm14 =	vlt.s32 v10, v15  }
0x17f: {  	s25 =	sadd.s32 $0x80, s25;
	v7 =	vsel vm15, v7, v63;
	v12 =	vsel vm13, v12, v14;
	v10 =	vsel vm14, v10, v15  }
0x180: {  	vm0 =	vlt.s32 v6, v13;
	vm15 =	vlt.s32 v9, v11  }
0x181: {  	vm1 =	vlt.s32 v8, v12;
	vm2 =	vlt.s32 v10, v7;
	v6 =	vsel vm0, v6, v13  }
0x182: {  	v9 =	vsel vm15, v9, v11;
	v8 =	vsel vm1, v8, v12;
	v7 =	vsel vm2, v10, v7  }
0x183: {  	vm0 =	vlt.s32 v6, v9;
	vm1 =	vlt.s32 v8, v7  }
0x184: {  	v6 =	vsel vm0, v6, v9;
	v7 =	vsel vm1, v8, v7  }
0x185: {  	vm0 =	vlt.s32 v6, v7  }
0x186: {  	v6 =	vsel vm0, v6, v7  }
0x187: {  	vm0 =	veq.s32 v6, $0x0  }
0x188: {  	v6 =	vmpcnt.ones.xlane vm0;
	_ =	sdelay $0x1  }
0x189: {  	(v2sf) =	vpush v6, $0x0;
	_ =	sdelay $0xe  }
0x18a: {  	s0 =	spop (v2sf)  }
0x18b: {  	p0 =	slt.s32 s0, $0x1  }
.Ltmp17:
0x18c: {  	_ = 	snop;
	(pc) =	sbr.rel @p0 .LBB2_29-.Ltmp17, $1  }
0x18d: {  	_ =	sdelay $0x3  }
0x18e: {  	s0 =	smul.u32 $0x640, s23;
	_ =	sdelay $0x1  }
0x18f: {  	s0 =	sadd.s32 s1, s0  }
0x190: {  	[tilespmem:s17], [sflag:$0x4] =	stream.strided.gather [hbm4b:s0+s14], $0x1900, s15, s14, $0x38;
	[tilespmem:$0x6480] =	vst v63  }
0x191: {  	_ =	swait.ge [sflag:s12], $0x1900  }
0x192: {  	[sflag:s12] =	ssyncset.done $0x0  }
0x193: {  	s23 =	simm.s32 $0x1940;
	[sflag:s12] =	ssyncadd.s32 $0xFFFFE700  }
0x194: {  	v7 =	vld [tilespmem:s23+$0x0]  }
0x195: {  	v8 =	vld [tilespmem:s23+$0x10]  }
0x196: {  	v10 =	vld [tilespmem:s23+$0x20]  }
0x197: {  	v11 =	vld [tilespmem:s23+$0x30]  }
0x198: {  	v14 =	vld [tilespmem:s23+$0xFFFFFFC0]  }
0x199: {  	s28 =	simm.s32 $0x0;
	v6 =	vimm.s32 $0x3FFFFFFF;
	s29 =	simm.s32 $0x4;
	s24 =	simm.s32 $0x5;
	v9 =	vimm.s32 $0x3FFFFFFF;
	v19 =	vld [tilespmem:s23+$0xFFFFFFD0]  }
0x19a: {  	s25 =	simm.s32 $0x6;
	s26 =	simm.s32 $0x1;
	s30 =	simm.s32 $0x7;
	v13 =	vmov s28;
	v20 =	vmov s29;
	v15 =	vmov s24;
	v22 =	vld [tilespmem:s23+$0xFFFFFFE0]  }
0x19b: {  	s31 =	simm.s32 $0x3;
	s28 =	simm.s32 $0x2;
	v16 =	vmov s25;
	v17 =	vmov s26;
	v21 =	vmov s30;
	v23 =	vld [tilespmem:s23+$0xFFFFFFF0]  }
0x19c: {  	v18 =	vmov s31;
	v12 =	vmov s28;
	vm1 =	veq.s32 v7, v5  }
0x19d: {  	s24 =	simm.s32 $0x8;
	vm0 =	veq.s32 v8, v5;
	v7 =	vimm.s32 $0x3FFFFFFF;
	v8 =	vimm.s32 $0x3FFFFFFF  }
.LBB2_24:
0x19e: {  	p0 =	slt.u32 s24, $0x188;
	vm2 =	veq.s32 v14, v5;
	vm3 =	veq.s32 v10, v5;
	vm4 =	veq.s32 v11, v5  }
0x19f: {  	v10 =	vnsel vm2, $0x3FFFFFFF, v13;
	vm2 =	veq.s32 v19, v5;
	vm5 =	veq.s32 v22, v5  }
0x1a0: {  	v11 =	vnsel vm1, $0x3FFFFFFF, v20;
	vm6 =	vlt.s32 v6, v10;
	vm7 =	veq.s32 v23, v5  }
0x1a1: {  	s23 =	sadd.s32 $0x80, s23;
	v13 =	vnsel vm0, $0x3FFFFFFF, v15;
	v15 =	vnsel vm3, $0x3FFFFFFF, v16;
	v6 =	vsel vm6, v6, v10  }
0x1a2: {  	v16 =	vnsel vm4, $0x3FFFFFFF, v21;
	v14 =	vnsel vm2, $0x3FFFFFFF, v17;
	v24 =	vld [tilespmem:s23+$0x0];
	vm0 =	vlt.s32 v6, v11  }
0x1a3: {  	v12 =	vnsel vm5, $0x3FFFFFFF, v12;
	v17 =	vnsel vm7, $0x3FFFFFFF, v18;
	v25 =	vld [tilespmem:s23+$0x10];
	v6 =	vsel vm0, v6, v11  }
0x1a4: {  	vm1 =	vlt.s32 v8, v12;
	vm2 =	vlt.s32 v9, v17;
	vm0 =	vlt.s32 v7, v14;
	v10 =	vld [tilespmem:s23+$0x20]  }
0x1a5: {  	v8 =	vsel vm1, v8, v12;
	v9 =	vsel vm2, v9, v17;
	v7 =	vsel vm0, v7, v14;
	v11 =	vld [tilespmem:s23+$0x30]  }
0x1a6: {  	vm1 =	vlt.s32 v8, v15;
	vm2 =	vlt.s32 v9, v16;
	vm0 =	vlt.s32 v7, v13;
	v14 =	vld [tilespmem:s23+$0xFFFFFFC0]  }
.Ltmp18:
0x1a7: {  	v8 =	vsel vm1, v8, v15;
	v9 =	vsel vm2, v9, v16;
	v7 =	vsel vm0, v7, v13;
	v19 =	vld [tilespmem:s23+$0xFFFFFFD0];
	(pc) =	sbr.rel @p0 .LBB2_24-.Ltmp18, $4  }
0x1a8: {  	s0 =	sadd.s32 $0x4, s24;
	s25 =	sadd.s32 $0x5, s24;
	s26 =	sadd.s32 $0x6, s24;
	v13 =	vmov s24;
	v22 =	vld [tilespmem:s23+$0xFFFFFFE0]  }
0x1a9: {  	s28 =	sadd.s32 $0x1, s24;
	s29 =	sadd.s32 $0x2, s24;
	v20 =	vmov s0;
	s0 =	sadd.s32 $0x7, s24;
	v15 =	vmov s25;
	v16 =	vmov s26;
	v23 =	vld [tilespmem:s23+$0xFFFFFFF0]  }
0x1aa: {  	v21 =	vmov s0;
	v12 =	vmov s29;
	v17 =	vmov s28;
	s25 =	sadd.s32 $0x3, s24  }
0x1ab: {  	v18 =	vmov s25;
	s24 =	sadd.s32 $0x8, s24;
	vm1 =	veq.s32 v24, v5;
	vm0 =	veq.s32 v25, v5  }
0x1ac: {  	vm2 =	veq.s32 v14, v5;
	vm3 =	veq.s32 v10, v5;
	vm4 =	veq.s32 v11, v5  }
0x1ad: {  	v58 =	vnsel vm1, $0x3FFFFFFF, v20;
	v59 =	vnsel vm0, $0x3FFFFFFF, v15;
	v57 =	vnsel vm2, $0x3FFFFFFF, v13  }
0x1ae: {  	vm2 =	veq.s32 v19, v5;
	vm5 =	veq.s32 v22, v5;
	v60 =	vnsel vm3, $0x3FFFFFFF, v16  }
0x1af: {  	v62 =	vnsel vm4, $0x3FFFFFFF, v21;
	vm6 =	vlt.s32 v6, v57;
	vm7 =	veq.s32 v23, v5  }
0x1b0: {  	v61 =	vnsel vm2, $0x3FFFFFFF, v17;
	v12 =	vnsel vm5, $0x3FFFFFFF, v12;
	v6 =	vsel vm6, v6, v57  }
0x1b1: {  	v63 =	vnsel vm7, $0x3FFFFFFF, v18;
	vm1 =	vlt.s32 v8, v12;
	vm0 =	vlt.s32 v6, v58  }
0x1b2: {  	vm2 =	vlt.s32 v9, v63;
	v6 =	vsel vm0, v6, v58;
	vm0 =	vlt.s32 v7, v61  }
0x1b3: {  	v8 =	vsel vm1, v8, v12;
	v9 =	vsel vm2, v9, v63;
	v7 =	vsel vm0, v7, v61  }
0x1b4: {  	vm1 =	vlt.s32 v8, v60;
	vm2 =	vlt.s32 v9, v62;
	vm0 =	vlt.s32 v7, v59  }
0x1b5: {  	v8 =	vsel vm1, v8, v60;
	v9 =	vsel vm2, v9, v62;
	v7 =	vsel vm0, v7, v59  }
0x1b6: {  	vm1 =	vlt.s32 v8, v9;
	vm0 =	vlt.s32 v6, v7  }
0x1b7: {  	v6 =	vsel vm0, v6, v7;
	v7 =	vsel vm1, v8, v9  }
0x1b8: {  	vm0 =	vlt.s32 v6, v7  }
0x1b9: {  	v6 =	vsel vm0, v6, v7  }
0x1ba: {  	vm0 =	vne.s32 v6, $0x3FFFFFFF  }
0x1bb: {  	v7 =	vmpcnt.ones.xlane vm0;
	_ =	sdelay $0x1  }
0x1bc: {  	(v2sf) =	vpush v7, $0x0;
	_ =	sdelay $0xe  }
0x1bd: {  	s0 =	spop (v2sf)  }
0x1be: {  	p0 =	slt.s32 s0, $0x1  }
.Ltmp19:
0x1bf: {  	_ = 	snop;
	(pc) =	sbr.rel @p0 .LBB2_29-.Ltmp19, $1  }
0x1c0: {  	_ =	sdelay $0x3  }
.LBB2_26:
0x1c1: {  	v7 =	vshll.u32 v6, $0x4  }
0x1c2: {  	v7 =	vor.u32 v1, v7  }
0x1c3: {  	v7 =	vsel vm0, v7, v1;
	_ =	sdelay $0x4  }
0x1c4: {  	v7 =	vld.idx.msk [tilespmem:v7+s17+$0x0], $0xffff;
	_ =	sdelay $0x4  }
0x1c5: {  	vm1 =	vne.s32 v7, v5  }
0x1c6: {  	v7 =	vadd.s32 v0, v7;
	vm0 =	vmand vm0, vm1  }
0x1c7: {  	v7 =	vsel vm0, v7, v2;
	_ =	sdelay $0x3  }
0x1c8: {  	s0 =	simm.s32 $0x0;
	vm0 =	vmmov $0xffff  }
0x1c9: {  	[hbm4b:s5+s0] =	stream.indirect_vreg.scatter [tilespmem:s18], [sflag:$0x3], $0x1, v7, vm0, $0xb8;
	[tilespmem:$0x6480] =	vst v63  }
0x1ca: {  	_ =	swait.ge [sflag:s19], $0x10  }
0x1cb: {  	[sflag:s19] =	ssyncset.done $0x0  }
0x1cc: {  	s23 =	simm.s32 $0x1940;
	[sflag:s19] =	ssyncadd.s32 $0xFFFFFFF0  }
0x1cd: {  	v8 =	vld [tilespmem:s23+$0x0]  }
0x1ce: {  	v9 =	vld [tilespmem:s23+$0x10]  }
0x1cf: {  	v10 =	vld [tilespmem:s23+$0x20]  }
0x1d0: {  	s24 =	simm.s32 $0x4;
	s29 =	simm.s32 $0x5;
	v19 =	vld [tilespmem:s23+$0x30]  }
0x1d1: {  	s30 =	simm.s32 $0x6;
	s25 =	simm.s32 $0x7;
	s26 =	simm.s32 $0x1;
	v13 =	vmov s0;
	v11 =	vmov s24;
	v14 =	vmov s29;
	v20 =	vld [tilespmem:s23+$0xFFFFFFC0]  }
0x1d2: {  	s28 =	simm.s32 $0x2;
	s31 =	simm.s32 $0x3;
	v15 =	vmov s30;
	v12 =	vmov s25;
	v17 =	vmov s26;
	v21 =	vld [tilespmem:s23+$0xFFFFFFD0]  }
0x1d3: {  	v16 =	vmov s28;
	v18 =	vmov s31;
	vm4 =	vgt.s32 v11, v6;
	v22 =	vld [tilespmem:s23+$0xFFFFFFE0]  }
0x1d4: {  	vm5 =	vgt.s32 v14, v6;
	vm6 =	vgt.s32 v15, v6;
	vm7 =	vgt.s32 v12, v6  }
0x1d5: {  	vm3 =	vgt.s32 v16, v6;
	vm2 =	vgt.s32 v18, v6;
	vm9 =	veq.s32 v19, v5;
	v19 =	vld [tilespmem:s23+$0xFFFFFFF0]  }
0x1d6: {  	vm1 =	vgt.s32 v17, v6;
	v7 =	vimm.s32 $0x3FFFFFFF;
	vm0 =	vgt.s32 v13, v6  }
0x1d7: {  	vm12 =	veq.s32 v8, v5;
	vm13 =	veq.s32 v9, v5;
	vm8 =	veq.s32 v10, v5  }
0x1d8: {  	vm14 =	veq.s32 v20, v5;
	vm10 =	veq.s32 v21, v5;
	vm11 =	veq.s32 v22, v5  }
0x1d9: {  	s24 =	simm.s32 $0x8;
	v8 =	vimm.s32 $0x3FFFFFFF;
	v9 =	vimm.s32 $0x3FFFFFFF;
	v10 =	vimm.s32 $0x3FFFFFFF  }
.LBB2_27:
0x1da: {  	p0 =	slt.u32 s24, $0x188;
	vm15 =	veq.s32 v19, v5;
	vm4 =	vmand vm4, vm12;
	vm5 =	vmand vm5, vm13  }
0x1db: {  	vm0 =	vmand vm0, vm14;
	vm6 =	vmand vm6, vm8;
	vm7 =	vmand vm7, vm9  }
0x1dc: {  	v13 =	vnsel vm0, $0x3FFFFFFF, v13;
	vm0 =	vmand vm1, vm10;
	vm1 =	vmand vm3, vm11  }
0x1dd: {  	vm2 =	vmand vm2, vm15;
	v11 =	vnsel vm4, $0x3FFFFFFF, v11;
	vm3 =	vlt.s32 v7, v13  }
0x1de: {  	v7 =	vsel vm3, v7, v13;
	v13 =	vnsel vm5, $0x3FFFFFFF, v14;
	v14 =	vnsel vm6, $0x3FFFFFFF, v15  }
0x1df: {  	v12 =	vnsel vm7, $0x3FFFFFFF, v12;
	v15 =	vnsel vm0, $0x3FFFFFFF, v17;
	vm0 =	vlt.s32 v7, v11  }
0x1e0: {  	s23 =	sadd.s32 $0x80, s23;
	v16 =	vnsel vm1, $0x3FFFFFFF, v16;
	v17 =	vnsel vm2, $0x3FFFFFFF, v18;
	v7 =	vsel vm0, v7, v11  }
0x1e1: {  	vm1 =	vlt.s32 v9, v16;
	vm2 =	vlt.s32 v10, v17;
	vm0 =	vlt.s32 v8, v15;
	v20 =	vld [tilespmem:s23+$0x0]  }
0x1e2: {  	v9 =	vsel vm1, v9, v16;
	v10 =	vsel vm2, v10, v17;
	v8 =	vsel vm0, v8, v15;
	v21 =	vld [tilespmem:s23+$0x10]  }
0x1e3: {  	vm1 =	vlt.s32 v9, v14;
	vm2 =	vlt.s32 v10, v12;
	vm0 =	vlt.s32 v8, v13;
	v22 =	vld [tilespmem:s23+$0x20]  }
0x1e4: {  	s0 =	sadd.s32 $0x4, s24;
	v9 =	vsel vm1, v9, v14;
	v10 =	vsel vm2, v10, v12;
	v8 =	vsel vm0, v8, v13;
	v23 =	vld [tilespmem:s23+$0x30]  }
0x1e5: {  	s25 =	sadd.s32 $0x6, s24;
	s26 =	sadd.s32 $0x7, s24;
	v11 =	vmov s0;
	s0 =	sadd.s32 $0x5, s24;
	v13 =	vmov s24;
	v24 =	vld [tilespmem:s23+$0xFFFFFFC0]  }
0x1e6: {  	s28 =	sadd.s32 $0x1, s24;
	s29 =	sadd.s32 $0x2, s24;
	v14 =	vmov s0;
	v15 =	vmov s25;
	v12 =	vmov s26;
	v25 =	vld [tilespmem:s23+$0xFFFFFFD0]  }
0x1e7: {  	v16 =	vmov s29;
	v17 =	vmov s28;
	s0 =	sadd.s32 $0x3, s24;
	vm0 =	vgt.s32 v13, v6;
	v26 =	vld [tilespmem:s23+$0xFFFFFFE0]  }
.Ltmp20:
0x1e8: {  	vm4 =	vgt.s32 v11, v6;
	v18 =	vmov s0;
	vm5 =	vgt.s32 v14, v6;
	v19 =	vld [tilespmem:s23+$0xFFFFFFF0];
	(pc) =	sbr.rel @p0 .LBB2_27-.Ltmp20, $4  }
0x1e9: {  	vm1 =	vgt.s32 v17, v6;
	vm6 =	vgt.s32 v15, v6;
	vm7 =	vgt.s32 v12, v6  }
0x1ea: {  	vm3 =	vgt.s32 v16, v6;
	vm2 =	vgt.s32 v18, v6;
	vm12 =	veq.s32 v20, v5  }
0x1eb: {  	vm13 =	veq.s32 v21, v5;
	vm8 =	veq.s32 v22, v5;
	vm9 =	veq.s32 v23, v5  }
0x1ec: {  	s24 =	sadd.s32 $0x8, s24;
	vm14 =	veq.s32 v24, v5;
	vm10 =	veq.s32 v25, v5;
	vm11 =	veq.s32 v26, v5  }
0x1ed: {  	vm15 =	veq.s32 v19, v5;
	vm4 =	vmand vm4, vm12;
	vm5 =	vmand vm5, vm13  }
0x1ee: {  	vm0 =	vmand vm0, vm14;
	vm6 =	vmand vm6, vm8;
	vm7 =	vmand vm7, vm9  }
0x1ef: {  	v6 =	vnsel vm0, $0x3FFFFFFF, v13;
	vm0 =	vmand vm1, vm10;
	vm1 =	vmand vm3, vm11  }
0x1f0: {  	vm2 =	vmand vm2, vm15;
	v11 =	vnsel vm4, $0x3FFFFFFF, v11;
	v59 =	vnsel vm6, $0x3FFFFFFF, v15  }
0x1f1: {  	v12 =	vnsel vm7, $0x3FFFFFFF, v12;
	vm3 =	vlt.s32 v7, v6;
	v60 =	vnsel vm0, $0x3FFFFFFF, v17  }
0x1f2: {  	v61 =	vnsel vm1, $0x3FFFFFFF, v16;
	v62 =	vnsel vm2, $0x3FFFFFFF, v18;
	v6 =	vsel vm3, v7, v6  }
0x1f3: {  	v7 =	vnsel vm5, $0x3FFFFFFF, v14;
	vm1 =	vlt.s32 v9, v61;
	vm0 =	vlt.s32 v6, v11  }
0x1f4: {  	vm2 =	vlt.s32 v10, v62;
	v6 =	vsel vm0, v6, v11;
	vm0 =	vlt.s32 v8, v60  }
0x1f5: {  	v9 =	vsel vm1, v9, v61;
	v10 =	vsel vm2, v10, v62;
	v8 =	vsel vm0, v8, v60  }
0x1f6: {  	vm1 =	vlt.s32 v9, v59;
	vm2 =	vlt.s32 v10, v12;
	vm0 =	vlt.s32 v8, v7  }
0x1f7: {  	v63 =	vsel vm2, v10, v12;
	v7 =	vsel vm0, v8, v7;
	v8 =	vsel vm1, v9, v59  }
0x1f8: {  	vm0 =	vlt.s32 v6, v7;
	vm1 =	vlt.s32 v8, v63  }
0x1f9: {  	v6 =	vsel vm0, v6, v7;
	v7 =	vsel vm1, v8, v63  }
0x1fa: {  	vm0 =	vlt.s32 v6, v7  }
0x1fb: {  	v6 =	vsel vm0, v6, v7  }
0x1fc: {  	vm0 =	vne.s32 v6, $0x3FFFFFFF  }
0x1fd: {  	v7 =	vmpcnt.ones.xlane vm0;
	_ =	sdelay $0x1  }
0x1fe: {  	(v2sf) =	vpush v7, $0x0;
	_ =	sdelay $0xe  }
0x1ff: {  	s0 =	spop (v2sf)  }
0x200: {  	p0 =	sgt.s32 s0, $0x0  }
.Ltmp21:
0x201: {  	_ = 	snop;
	(pc) =	sbr.rel @p0 .LBB2_26-.Ltmp21, $4  }
.Ltmp22:
0x202: {  	_ = 	snop;
	(pc) =	sbr.rel @!p0 .LBB2_29-.Ltmp22, $4  }
0x203: {  	_ = 	snop  }
0x204: {  	_ = 	snop  }
0x205: {  	_ = 	snop  }
0x206: {  	_ = 	snop  }
.LBB2_31:
0x207: {  	_ =	sfence.sel $0x180000  }
0x208: {  	[bflag:$0x0] =	sbarrier.arrive $0xFFFF  }
0x209: {  	_ =	strace $0x90000047  }
0x20a: {  	[bflag:$0x2] =	sbarrier.arrive $0xFFFF  }
0x20b: {  	p0 =	sne.s32 s3, $0x0;
	s0 =	rddreg [dreg:$0x2]  }
0x20c: {  	s0 =	sadd.s32 @!p0 $0x100000, s0  }
0x20d: {  	[sflag:s0] =	ssyncadd.tile.s32 @!p0 $0x1;
	_ =	shalt  }
.Lfunc_end2:
_tile_overlayer_lowered:
.L_overlay_start_2:
0x20e: {  	(tag) =	ssettag $0x2  }
0x20f: {  	s0 =	rddreg [dreg:$0x0];
	s2 =	stileid.u32  }
0x210: {  	s1 =	rddreg [dreg:$0x1];
	p0 =	sne.s32 s2, $0x0  }
0x211: {  	s3 =	rddreg [dreg:$0x2];
	[bflag:$0x3] =	sbarrier.arrive $0xFFFF;
	s2 =	simm.s32 @!p0 $0x1C04  }
0x212: {  	[timem:s3], [sflag:s2] =	dma.local @!p0 [hbm:s0], s1  }
0x213: {  	s0 =	simm.s32 @!p0 $0x4  }
0x214: {  	_ =	swait.ge @!p0 [sflag:s0], s1  }
0x215: {  	s1 =	ssub.s32 @!p0 $0x0, s1;
	[sflag:s0] =	ssyncset.done @!p0 $0x0  }
0x216: {  	[sflag:s0] =	ssyncadd.s32 @!p0 s1  }
0x217: {  	[bflag:$0x3] =	sbarrier.arrive $0xFFFF  }
0x218: {  	_ =	shalt  }

</sc_bundles>
